<compile_context>
chip_gen: v7x
topology: tpu7x:2x2x1
jax: 0.10.2.dev20260603
libtpu: 0.0.44.dev20260713+nightly
codegen_flags: <defaults>
</compile_context>

<pallas_src>
import functools

import numpy as np
import jax
import jax.numpy as jnp
from jax import lax
from jax.experimental import pallas as pl
from jax.experimental.pallas import tpu as pltpu
from jax.experimental.pallas import tpu_sc as plsc

_B, _P, _H = 8192, 256, 32
_NW = 32
_GM = 16
_TABLE_PAD = 1056
_SWEEPS = 6
_TINY = 1e-12


def _sc_build_body(table_hbm, widx_hbm, h1_hbm, h2_hbm, out_hbm,
                   table_v, widx_v, h1_v, h2_v, acc_v):
    hh = _H * _H
    mpw = _B // _NW
    wid = lax.axis_index("s") * 2 + lax.axis_index("c")
    pltpu.sync_copy(table_hbm, table_v)

    def group(g, carry):
        base_m = wid * mpw + g * _GM
        ebase = base_m * _P
        pltpu.sync_copy(widx_hbm.at[pl.ds(ebase, _GM * _P)], widx_v)
        pltpu.sync_copy(h1_hbm.at[pl.ds(ebase, _GM * _P)], h1_v)
        pltpu.sync_copy(h2_hbm.at[pl.ds(ebase, _GM * _P)], h2_v)

        def zero(k, c):
            acc_v[pl.ds(k * 16, 16)] = jnp.zeros((16,), jnp.float32)
            return c
        lax.fori_loop(0, _GM * hh // 16, zero, 0)

        def chunk(k, c):
            iv = widx_v[pl.ds(k * 16, 16)]
            v = plsc.load_gather(table_v, [iv]) * 0.5
            mofs = (k // (_P // 16)) * hh
            i1 = h1_v[pl.ds(k * 16, 16)] + mofs
            i2 = h2_v[pl.ds(k * 16, 16)] + mofs
            plsc.addupdate_scatter(acc_v, [i1], v)
            plsc.addupdate_scatter(acc_v, [i2], v)
            return c
        lax.fori_loop(0, _GM * _P // 16, chunk, 0)
        pltpu.sync_copy(acc_v, out_hbm.at[pl.ds(base_m * hh, _GM * hh)])
        return carry

    lax.fori_loop(0, mpw // _GM, group, 0)


def _build_ham_sc(table, widx, h1, h2):
    hh = _H * _H
    mesh = plsc.VectorSubcoreMesh(core_axis_name="c", subcore_axis_name="s")
    k = functools.partial(
        pl.kernel,
        mesh=mesh,
        compiler_params=pltpu.CompilerParams(needs_layout_passes=False),
        out_type=jax.ShapeDtypeStruct((_B * hh,), jnp.float32),
        scratch_types=[
            pltpu.VMEM((_TABLE_PAD,), jnp.float32),
            pltpu.VMEM((_GM * _P,), jnp.int32),
            pltpu.VMEM((_GM * _P,), jnp.int32),
            pltpu.VMEM((_GM * _P,), jnp.int32),
            pltpu.VMEM((_GM * hh,), jnp.float32),
        ],
    )(_sc_build_body)
    return k(table, widx, h1, h2)


_BIS_ITERS = 24
_PIVMIN = 1e-8


def _spread_lanes(x):
    idx = lax.broadcasted_iota(jnp.int32, (1, 1, _H), 2)
    for k in (1, 2, 4, 8, 16):
        lo = jnp.roll(x, -k, axis=2)
        hi = jnp.roll(x, k, axis=2)
        x = x + jnp.where((idx & k) == 0, lo, hi)
    return x


def _jacobi_body(ham_ref, occ_ref, out_ref):
    A = ham_ref[...]
    lane = lax.broadcasted_iota(jnp.int32, (1, _H), 1)

    def hh_step(k, A):
        onek = jnp.where(lane == k, 1.0, 0.0)
        x = jnp.sum(A * onek[:, None, :], axis=2)
        t = jnp.where(lane > k, x, 0.0)
        nrm2 = jnp.sum(t * t, axis=1, keepdims=True)
        piv = jnp.where(lane == k + 1, 1.0, 0.0)
        xp = jnp.sum(t * piv, axis=1, keepdims=True)
        sg = jnp.where(xp < 0, -1.0, 1.0)
        alpha = -sg * jnp.sqrt(nrm2)
        v = t - alpha * piv
        beta = jnp.sum(v * v, axis=1, keepdims=True)
        tau = jnp.where(beta > 1e-30, 2.0 / jnp.maximum(beta, 1e-30), 0.0)
        w = jnp.sum(A * v[:, None, :], axis=2)
        vw = jnp.sum(v * w, axis=1, keepdims=True)
        q = tau * w - (0.5 * tau * tau * vw) * v
        return A - v[:, :, None] * q[:, None, :] - q[:, :, None] * v[:, None, :]

    A = lax.fori_loop(0, _H - 2, hh_step, A)

    ii = lax.broadcasted_iota(jnp.int32, (_H, _H), 0)
    jj = lax.broadcasted_iota(jnp.int32, (_H, _H), 1)
    D3 = _spread_lanes(jnp.where((ii == jj)[None], A, 0.0))
    E = _spread_lanes(jnp.where((jj == ii + 1)[None], A, 0.0))
    E3 = E * E
    d = jnp.sum(jnp.where((ii == jj)[None], A, 0.0), axis=2)
    e = jnp.sum(jnp.where((jj == ii + 1)[None], A, 0.0), axis=2)
    eprev = jnp.where(lane == 0, 0.0, jnp.roll(e, 1, axis=1))
    r = jnp.abs(e) + jnp.abs(eprev)
    lo0 = jnp.min(d - r, axis=1, keepdims=True) + jnp.zeros_like(d)
    hi0 = jnp.max(d + r, axis=1, keepdims=True) + jnp.zeros_like(d)
    kq = lane.astype(jnp.float32)

    def bis_step(_, carry):
        lo, hi = carry
        mid = 0.5 * (lo + hi)
        qv = D3[:, 0, :] - mid
        cnt = jnp.where(qv < 0, 1.0, 0.0)
        for i in range(1, _H):
            qs = jnp.where(jnp.abs(qv) < _PIVMIN, -_PIVMIN, qv)
            qv = D3[:, i, :] - mid - E3[:, i - 1, :] / qs
            cnt = cnt + jnp.where(qv < 0, 1.0, 0.0)
        take_hi = cnt > kq
        return (jnp.where(take_hi, lo, mid), jnp.where(take_hi, mid, hi))

    lo, hi = lax.fori_loop(0, _BIS_ITERS, bis_step, (lo0, hi0))
    ev = 0.5 * (lo + hi)
    out_ref[...] = jnp.sum(ev * occ_ref[...], axis=1)


def _eig_tc(ham, occ):
    bm = 128
    grid = _B // bm
    return pl.pallas_call(
        _jacobi_body,
        grid=(grid,),
        in_specs=[
            pl.BlockSpec((bm, _H, _H), lambda i: (i, 0, 0)),
            pl.BlockSpec((bm, _H), lambda i: (i, 0)),
        ],
        out_specs=pl.BlockSpec((bm,), lambda i: (i,)),
        out_shape=jax.ShapeDtypeStruct((_B,), jnp.float32),
    )(ham, occ)


def kernel(weights, occupations, par_idx, ham_idx):
    table = jnp.pad(weights.reshape(-1).astype(jnp.float32),
                    (0, _TABLE_PAD - weights.size))
    pi = par_idx.astype(jnp.int32)
    widx = ((pi[..., 0] * 7 + pi[..., 1]) * 5 + pi[..., 2]) * 5 + pi[..., 3]
    r = ham_idx[..., 0].astype(jnp.int32)
    c = ham_idx[..., 1].astype(jnp.int32)
    h1 = r * _H + c
    h2 = c * _H + r
    ham_flat = _build_ham_sc(table, widx.reshape(-1), h1.reshape(-1),
                             h2.reshape(-1))
    ham = ham_flat.reshape(_B, _H, _H)
    return _eig_tc(ham, occupations.astype(jnp.float32))

# --- scband reference (transcript-rebuilt; emitter-appended) ---
"""Pipeline reference for scband-huckel-45638322487560 (READ-ONLY COPY).

The authoritative reference and input builder live on the scoring server;
editing this copy changes nothing except your own understanding.
"""

import jax, jax.numpy as jnp
import numpy as np

B, P, H = 8192, 256, 32

def setup_inputs(seed: int = 0) -> dict:
    key = jax.random.key(seed)
    k1, k2, k3, k4 = jax.random.split(key, 4)
    par_idx = jax.random.randint(k1, (B, P, 4), 0, 5).astype(jnp.int64) if jax.config.jax_enable_x64 else jax.random.randint(k1, (B, P, 4), 0, 5)
    ham_idx = jax.random.randint(k2, (B, P, 2), 0, H)
    occupations = jax.random.uniform(k3, (B, H), dtype=jnp.float32)
    weights = jax.random.normal(k4, (6, 7, 5, 5), dtype=jnp.float32)
    return {"weights": weights, "occupations": occupations, "par_idx": par_idx, "ham_idx": ham_idx}

def reference(weights, occupations, par_idx, ham_idx):
    # Gather Huckel parameters from the 6x7x5x5 weight table for each (ham_index, par_index) pair
    vals = weights[par_idx[..., 0], par_idx[..., 1], par_idx[..., 2], par_idx[..., 3]]  # [B, P]
    # Scatter-add each gathered parameter into its Hamiltonian position (batched)
    b = jnp.broadcast_to(jnp.arange(B)[:, None], (B, P))
    ham = jnp.zeros((B, H, H), dtype=weights.dtype).at[b, ham_idx[..., 0], ham_idx[..., 1]].add(vals)
    # eigvalsh treats the matrix as Hermitian; symmetrize explicitly
    ham = 0.5 * (ham + jnp.swapaxes(ham, -1, -2))
    w3 = jnp.linalg.eigvalsh(ham)  # [B, H] ascending eigenvalues
    # final_val = dot(eigenvalues, occupations) per molecule
    result = jnp.sum(w3 * occupations, axis=-1)  # [B]
    return result

if __name__ == "__main__":
    import jax
    _d = setup_inputs()
    print(jax.jit(kernel)(*tuple(_d.values())))

</pallas_src>

<mosaic_0001>
#map = affine_map<(d0, d1) -> (0)>
module attributes {stable_mosaic.version = 14 : i64} {
  func.func @_sc_build_body(%arg0: i32, %arg1: i32, %arg2: memref<1056xf32, #tpu.memory_space<hbm>>, %arg3: memref<2097152xi32, #tpu.memory_space<hbm>>, %arg4: memref<2097152xi32, #tpu.memory_space<hbm>>, %arg5: memref<2097152xi32, #tpu.memory_space<hbm>>, %arg6: memref<8388608xf32, #tpu.memory_space<hbm>>, %arg7: memref<1056xf32, #tpu.memory_space<vmem>>, %arg8: memref<4096xi32, #tpu.memory_space<vmem>>, %arg9: memref<4096xi32, #tpu.memory_space<vmem>>, %arg10: memref<4096xi32, #tpu.memory_space<vmem>>, %arg11: memref<16384xf32, #tpu.memory_space<vmem>>) attributes {dimension_semantics = [#tpu.dimension_semantics<core_parallel>, #tpu.dimension_semantics<subcore_parallel>], iteration_bounds = array<i64: 2, 16>, scalar_prefetch = 0 : i64, scratch_operands = 5 : i64, tpu.core_type = #tpu.core_type<sc_vector_subcore>, window_params = [{transform_indices = #map}, {transform_indices = #map}, {transform_indices = #map}, {transform_indices = #map}, {transform_indices = #map}]} {
    %mul3A = arith.constant 2 : i32
    %mul3A_0 = arith.muli %arg1, %mul3A : i32
    %add3A = arith.addi %mul3A_0, %arg0 : i32
    "tpu.region"() ({
      %run_scoped3A = tpu.sem_alloc : memref<!tpu.dma_semaphore, #tpu.memory_space<semaphore_mem>>
      tpu.enqueue_dma source(%arg2 : memref<1056xf32, #tpu.memory_space<hbm>>) target(%arg7 : memref<1056xf32, #tpu.memory_space<vmem>>) target_semaphore(%run_scoped3A : memref<!tpu.dma_semaphore, #tpu.memory_space<semaphore_mem>>)
      tpu.wait_dma2 semaphore(%run_scoped3A : memref<!tpu.dma_semaphore, #tpu.memory_space<semaphore_mem>>) src(%arg2 : memref<1056xf32, #tpu.memory_space<hbm>>) dst(%arg7 : memref<1056xf32, #tpu.memory_space<vmem>>)
      tpu.yield
    }) : () -> ()
    %scan3A = arith.constant 0 : i32
    %scan3A_1 = arith.constant 0 : i32
    %scan3A_2 = arith.constant 16 : i32
    %scan3A_3 = arith.addi %scan3A_1, %scan3A_2 : i32
    %scan3A_4 = arith.constant 1 : i32
    scf.for %scan3A_6 = %scan3A_1 to %scan3A_3 step %scan3A_4  : i32 {
      %mul3A_7 = arith.constant 256 : i32
      %mul3A_8 = arith.muli %add3A, %mul3A_7 : i32
      %mul3A_9 = arith.constant 16 : i32
      %mul3A_10 = arith.muli %scan3A_6, %mul3A_9 : i32
      %add3A_11 = arith.addi %mul3A_8, %mul3A_10 : i32
      %mul3A_12 = arith.constant 256 : i32
      %mul3A_13 = arith.muli %add3A_11, %mul3A_12 : i32
      "tpu.region"() ({
        %run_scoped3A = tpu.sem_alloc : memref<!tpu.dma_semaphore, #tpu.memory_space<semaphore_mem>>
        %dma_start3A = tpu.memref_slice %arg3[%mul3A_13] : memref<2097152xi32, #tpu.memory_space<hbm>> -> memref<4096xi32, #tpu.memory_space<hbm>>
        %dma_start3A_28 = tpu.memref_slice %arg3[%mul3A_13] : memref<2097152xi32, #tpu.memory_space<hbm>> -> memref<4096xi32, #tpu.memory_space<hbm>>
        tpu.enqueue_dma source(%dma_start3A_28 : memref<4096xi32, #tpu.memory_space<hbm>>) target(%arg8 : memref<4096xi32, #tpu.memory_space<vmem>>) target_semaphore(%run_scoped3A : memref<!tpu.dma_semaphore, #tpu.memory_space<semaphore_mem>>)
        %dma_wait3A = tpu.memref_slice %arg3[%mul3A_13] : memref<2097152xi32, #tpu.memory_space<hbm>> -> memref<4096xi32, #tpu.memory_space<hbm>>
        %dma_wait3A_29 = tpu.memref_slice %arg3[%mul3A_13] : memref<2097152xi32, #tpu.memory_space<hbm>> -> memref<4096xi32, #tpu.memory_space<hbm>>
        tpu.wait_dma2 semaphore(%run_scoped3A : memref<!tpu.dma_semaphore, #tpu.memory_space<semaphore_mem>>) src(%dma_wait3A_29 : memref<4096xi32, #tpu.memory_space<hbm>>) dst(%arg8 : memref<4096xi32, #tpu.memory_space<vmem>>)
        tpu.yield
      }) : () -> ()
      "tpu.region"() ({
        %run_scoped3A = tpu.sem_alloc : memref<!tpu.dma_semaphore, #tpu.memory_space<semaphore_mem>>
        %dma_start3A = tpu.memref_slice %arg4[%mul3A_13] : memref<2097152xi32, #tpu.memory_space<hbm>> -> memref<4096xi32, #tpu.memory_space<hbm>>
        %dma_start3A_28 = tpu.memref_slice %arg4[%mul3A_13] : memref<2097152xi32, #tpu.memory_space<hbm>> -> memref<4096xi32, #tpu.memory_space<hbm>>
        tpu.enqueue_dma source(%dma_start3A_28 : memref<4096xi32, #tpu.memory_space<hbm>>) target(%arg9 : memref<4096xi32, #tpu.memory_space<vmem>>) target_semaphore(%run_scoped3A : memref<!tpu.dma_semaphore, #tpu.memory_space<semaphore_mem>>)
        %dma_wait3A = tpu.memref_slice %arg4[%mul3A_13] : memref<2097152xi32, #tpu.memory_space<hbm>> -> memref<4096xi32, #tpu.memory_space<hbm>>
        %dma_wait3A_29 = tpu.memref_slice %arg4[%mul3A_13] : memref<2097152xi32, #tpu.memory_space<hbm>> -> memref<4096xi32, #tpu.memory_space<hbm>>
        tpu.wait_dma2 semaphore(%run_scoped3A : memref<!tpu.dma_semaphore, #tpu.memory_space<semaphore_mem>>) src(%dma_wait3A_29 : memref<4096xi32, #tpu.memory_space<hbm>>) dst(%arg9 : memref<4096xi32, #tpu.memory_space<vmem>>)
        tpu.yield
      }) : () -> ()
      "tpu.region"() ({
        %run_scoped3A = tpu.sem_alloc : memref<!tpu.dma_semaphore, #tpu.memory_space<semaphore_mem>>
        %dma_start3A = tpu.memref_slice %arg5[%mul3A_13] : memref<2097152xi32, #tpu.memory_space<hbm>> -> memref<4096xi32, #tpu.memory_space<hbm>>
        %dma_start3A_28 = tpu.memref_slice %arg5[%mul3A_13] : memref<2097152xi32, #tpu.memory_space<hbm>> -> memref<4096xi32, #tpu.memory_space<hbm>>
        tpu.enqueue_dma source(%dma_start3A_28 : memref<4096xi32, #tpu.memory_space<hbm>>) target(%arg10 : memref<4096xi32, #tpu.memory_space<vmem>>) target_semaphore(%run_scoped3A : memref<!tpu.dma_semaphore, #tpu.memory_space<semaphore_mem>>)
        %dma_wait3A = tpu.memref_slice %arg5[%mul3A_13] : memref<2097152xi32, #tpu.memory_space<hbm>> -> memref<4096xi32, #tpu.memory_space<hbm>>
        %dma_wait3A_29 = tpu.memref_slice %arg5[%mul3A_13] : memref<2097152xi32, #tpu.memory_space<hbm>> -> memref<4096xi32, #tpu.memory_space<hbm>>
        tpu.wait_dma2 semaphore(%run_scoped3A : memref<!tpu.dma_semaphore, #tpu.memory_space<semaphore_mem>>) src(%dma_wait3A_29 : memref<4096xi32, #tpu.memory_space<hbm>>) dst(%arg10 : memref<4096xi32, #tpu.memory_space<vmem>>)
        tpu.yield
      }) : () -> ()
      %scan3A_14 = arith.constant 0 : i32
      %scan3A_15 = arith.constant 0 : i32
      %scan3A_16 = arith.constant 1024 : i32
      %scan3A_17 = arith.addi %scan3A_15, %scan3A_16 : i32
      %scan3A_18 = arith.constant 1 : i32
      scf.for %scan3A_28 = %scan3A_15 to %scan3A_17 step %scan3A_18  : i32 {
        %broadcast_in_dim3A = arith.constant 0.000000e+00 : f32
        %broadcast_in_dim3A_29 = vector.broadcast %broadcast_in_dim3A : f32 to vector<16xf32>
        %mul3A_30 = arith.constant 16 : i32
        %mul3A_31 = arith.muli %scan3A_28, %mul3A_30 : i32
        %swap3A = arith.index_cast %mul3A_31 : i32 to index
        %swap3A_32 = tpu.vector_load %arg11[%swap3A] {strides = array<i32>} : memref<16384xf32, #tpu.memory_space<vmem>>, vector<16xf32>,
        tpu.vector_store %arg11[%swap3A], %broadcast_in_dim3A_29 {strides = array<i32>} : memref<16384xf32, #tpu.memory_space<vmem>>, vector<16xf32>,
      }
      %scan3A_19 = arith.constant 1024 : i32
      %scan3A_20 = arith.constant 0 : i32
      %scan3A_21 = arith.constant 0 : i32
      %scan3A_22 = arith.constant 256 : i32
      %scan3A_23 = arith.addi %scan3A_21, %scan3A_22 : i32
      %scan3A_24 = arith.constant 1 : i32
      scf.for %scan3A_28 = %scan3A_21 to %scan3A_23 step %scan3A_24  : i32 {
        %mul3A_29 = arith.constant 16 : i32
        %mul3A_30 = arith.muli %scan3A_28, %mul3A_29 : i32
        %get3A = arith.index_cast %mul3A_30 : i32 to index
        %get3A_31 = tpu.vector_load %arg8[%get3A] {strides = array<i32>} : memref<4096xi32, #tpu.memory_space<vmem>>, vector<16xi32>,
        %gather3A = tpu.vector_load_idx %arg7[%get3A_31] : memref<1056xf32, #tpu.memory_space<vmem>>[vector<16xi32>], vector<16xf32>,
        %mul3A_32 = arith.constant 5.000000e-01 : f32
        %mul3A_33 = vector.broadcast %mul3A_32 : f32 to vector<16xf32>
        %mul3A_34 = arith.mulf %gather3A, %mul3A_33 : vector<16xf32>
        %jit3A = arith.constant 16 : i32
        %div3A = arith.divsi %scan3A_28, %jit3A : i32
        %sign3A = arith.constant 0 : i32
        %sign3A_35 = arith.cmpi sgt, %scan3A_28, %sign3A : i32
        %sign3A_36 = arith.extui %sign3A_35 : i1 to i32
        %sign3A_37 = arith.constant 0 : i32
        %sign3A_38 = arith.cmpi slt, %scan3A_28, %sign3A_37 : i32
        %sign3A_39 = arith.extui %sign3A_38 : i1 to i32
        %sign3A_40 = arith.subi %sign3A_36, %sign3A_39 : i32
        %sign3A_41 = arith.constant 0 : i32
        %sign3A_42 = arith.cmpi sgt, %jit3A, %sign3A_41 : i32
        %sign3A_43 = arith.extui %sign3A_42 : i1 to i32
        %sign3A_44 = arith.constant 0 : i32
        %sign3A_45 = arith.cmpi slt, %jit3A, %sign3A_44 : i32
        %sign3A_46 = arith.extui %sign3A_45 : i1 to i32
        %sign3A_47 = arith.subi %sign3A_43, %sign3A_46 : i32
        %ne3A = arith.cmpi ne, %sign3A_40, %sign3A_47 : i32
        %rem3A = arith.remsi %scan3A_28, %jit3A : i32
        %ne3A_48 = arith.constant 0 : i32
        %ne3A_49 = arith.cmpi ne, %rem3A, %ne3A_48 : i32
        %and3A = arith.andi %ne3A, %ne3A_49 : i1
        %sub3A = arith.constant 1 : i32
        %sub3A_50 = arith.subi %div3A, %sub3A : i32
        %select_n3A = arith.select %and3A, %sub3A_50, %div3A : i32
        %mul3A_51 = arith.constant 1024 : i32
        %mul3A_52 = arith.muli %select_n3A, %mul3A_51 : i32
        %mul3A_53 = arith.constant 16 : i32
        %mul3A_54 = arith.muli %scan3A_28, %mul3A_53 : i32
        %get3A_55 = arith.index_cast %mul3A_54 : i32 to index
        %get3A_56 = tpu.vector_load %arg9[%get3A_55] {strides = array<i32>} : memref<4096xi32, #tpu.memory_space<vmem>>, vector<16xi32>,
        %add3A_57 = vector.broadcast %mul3A_52 : i32 to vector<16xi32>
        %add3A_58 = arith.addi %get3A_56, %add3A_57 : vector<16xi32>
        %mul3A_59 = arith.constant 16 : i32
        %mul3A_60 = arith.muli %scan3A_28, %mul3A_59 : i32
        %get3A_61 = arith.index_cast %mul3A_60 : i32 to index
        %get3A_62 = tpu.vector_load %arg10[%get3A_61] {strides = array<i32>} : memref<4096xi32, #tpu.memory_space<vmem>>, vector<16xi32>,
        %add3A_63 = vector.broadcast %mul3A_52 : i32 to vector<16xi32>
        %add3A_64 = arith.addi %get3A_62, %add3A_63 : vector<16xi32>
        tpu.vector_store_idx %arg11[%add3A_58], %mul3A_34 {add = true} : memref<16384xf32, #tpu.memory_space<vmem>>[vector<16xi32>], vector<16xf32>,
        tpu.vector_store_idx %arg11[%add3A_64], %mul3A_34 {add = true} : memref<16384xf32, #tpu.memory_space<vmem>>[vector<16xi32>], vector<16xf32>,
      }
      %scan3A_25 = arith.constant 256 : i32
      %mul3A_26 = arith.constant 1024 : i32
      %mul3A_27 = arith.muli %add3A_11, %mul3A_26 : i32
      "tpu.region"() ({
        %run_scoped3A = tpu.sem_alloc : memref<!tpu.dma_semaphore, #tpu.memory_space<semaphore_mem>>
        %dma_start3A = tpu.memref_slice %arg6[%mul3A_27] : memref<8388608xf32, #tpu.memory_space<hbm>> -> memref<16384xf32, #tpu.memory_space<hbm>>
        %dma_start3A_28 = tpu.memref_slice %arg6[%mul3A_27] : memref<8388608xf32, #tpu.memory_space<hbm>> -> memref<16384xf32, #tpu.memory_space<hbm>>
        tpu.enqueue_dma source(%arg11 : memref<16384xf32, #tpu.memory_space<vmem>>) target(%dma_start3A_28 : memref<16384xf32, #tpu.memory_space<hbm>>) target_semaphore(%run_scoped3A : memref<!tpu.dma_semaphore, #tpu.memory_space<semaphore_mem>>)
        %dma_wait3A = tpu.memref_slice %arg6[%mul3A_27] : memref<8388608xf32, #tpu.memory_space<hbm>> -> memref<16384xf32, #tpu.memory_space<hbm>>
        %dma_wait3A_29 = tpu.memref_slice %arg6[%mul3A_27] : memref<8388608xf32, #tpu.memory_space<hbm>> -> memref<16384xf32, #tpu.memory_space<hbm>>
        tpu.wait_dma2 semaphore(%run_scoped3A : memref<!tpu.dma_semaphore, #tpu.memory_space<semaphore_mem>>) src(%arg11 : memref<16384xf32, #tpu.memory_space<vmem>>) dst(%dma_wait3A_29 : memref<16384xf32, #tpu.memory_space<hbm>>)
        tpu.yield
      }) : () -> ()
    }
    %scan3A_5 = arith.constant 16 : i32
    return
  }
}

module attributes {stable_mosaic.version = 14 : i64} {
  func.func @_jacobi_body(%arg0: i32, %arg1: memref<128x32x32xf32, #tpu.memory_space<vmem>>, %arg2: memref<128x32xf32, #tpu.memory_space<vmem>>, %arg3: memref<128xf32, #tpu.memory_space<vmem>>) attributes {dimension_semantics = [#tpu.dimension_semantics<arbitrary>], iteration_bounds = array<i64: 64>, scalar_prefetch = 0 : i64, scratch_operands = 0 : i64, tpu.core_type = #tpu.core_type<tc>, window_params = [{transform_indices = @transform_0, window_bounds = array<i64: 128, 32, 32>}, {transform_indices = @transform_1, window_bounds = array<i64: 128, 32>}, {transform_indices = @transform_2, window_bounds = array<i64: 128>}]} {
    %get3A = arith.constant 0 : index
    %get3A_0 = arith.constant 0 : index
    %get3A_1 = arith.constant 0 : index
    %get3A_2 = vector.load %arg1[%get3A, %get3A_0, %get3A_1] : memref<128x32x32xf32, #tpu.memory_space<vmem>>, vector<128x32x32xf32>
    %iota3A = tpu.iota {dimensions = array<i32: 1>} : vector<1x32xi32>
    %scan3A = arith.constant 0 : i32
    %scan3A_3 = arith.constant 30 : i32
    %scan3A_4 = arith.addi %scan3A, %scan3A_3 : i32
    %scan3A_5 = arith.constant 1 : i32
    %scan3A_6 = scf.for %scan3A_243 = %scan3A to %scan3A_4 step %scan3A_5 iter_args(%scan3A_244 = %get3A_2) -> (vector<128x32x32xf32>)  : i32 {
      %eq3A_245 = vector.broadcast %scan3A_243 : i32 to vector<1x32xi32>
      %eq3A_246 = arith.cmpi eq, %iota3A, %eq3A_245 : vector<1x32xi32>
      %jit3A_247 = arith.constant 1.000000e+00 : f32
      %jit3A_248 = arith.constant 0.000000e+00 : f32
      %broadcast_in_dim3A_249 = vector.broadcast %jit3A_247 : f32 to vector<1x32xf32>
      %broadcast_in_dim3A_250 = vector.broadcast %jit3A_248 : f32 to vector<1x32xf32>
      %select_n3A_251 = arith.select %eq3A_246, %broadcast_in_dim3A_249, %broadcast_in_dim3A_250 : vector<1x32xi1>, vector<1x32xf32>
      %broadcast_in_dim3A_252 = vector.shape_cast %select_n3A_251 : vector<1x32xf32> to vector<1x1x32xf32>
      %mul3A_253 = vector.broadcast %broadcast_in_dim3A_252 : vector<1x1x32xf32> to vector<128x32x32xf32>
      %mul3A_254 = arith.mulf %scan3A_244, %mul3A_253 : vector<128x32x32xf32>
      %reduce_sum3A_255 = arith.constant dense<0.000000e+00> : vector<128x32xf32>
      %reduce_sum3A_256 = vector.multi_reduction <add>, %mul3A_254, %reduce_sum3A_255 [2] : vector<128x32x32xf32> to vector<128x32xf32>
      %gt3A = vector.broadcast %scan3A_243 : i32 to vector<1x32xi32>
      %gt3A_257 = arith.cmpi sgt, %iota3A, %gt3A : vector<1x32xi32>
      %jit3A_258 = arith.constant 0.000000e+00 : f32
      %broadcast_in_dim3A_259 = vector.shape_cast %gt3A_257 : vector<1x32xi1> to vector<1x32xi1>
      %broadcast_in_dim3A_260 = vector.broadcast %broadcast_in_dim3A_259 : vector<1x32xi1> to vector<128x32xi1>
      %broadcast_in_dim3A_261 = vector.broadcast %jit3A_258 : f32 to vector<128x32xf32>
      %select_n3A_262 = arith.select %broadcast_in_dim3A_260, %reduce_sum3A_256, %broadcast_in_dim3A_261 : vector<128x32xi1>, vector<128x32xf32>
      %mul3A_263 = arith.mulf %select_n3A_262, %select_n3A_262 : vector<128x32xf32>
      %reduce_sum3A_264 = arith.constant dense<0.000000e+00> : vector<128xf32>
      %reduce_sum3A_265 = vector.multi_reduction <add>, %mul3A_263, %reduce_sum3A_264 [1] : vector<128x32xf32> to vector<128xf32>
      %broadcast_in_dim3A_266 = vector.shape_cast %reduce_sum3A_265 : vector<128xf32> to vector<128x1xf32>
      %add3A_267 = arith.constant 1 : i32
      %add3A_268 = arith.addi %scan3A_243, %add3A_267 : i32
      %eq3A_269 = vector.broadcast %add3A_268 : i32 to vector<1x32xi32>
      %eq3A_270 = arith.cmpi eq, %iota3A, %eq3A_269 : vector<1x32xi32>
      %jit3A_271 = arith.constant 1.000000e+00 : f32
      %jit3A_272 = arith.constant 0.000000e+00 : f32
      %broadcast_in_dim3A_273 = vector.broadcast %jit3A_271 : f32 to vector<1x32xf32>
      %broadcast_in_dim3A_274 = vector.broadcast %jit3A_272 : f32 to vector<1x32xf32>
      %select_n3A_275 = arith.select %eq3A_270, %broadcast_in_dim3A_273, %broadcast_in_dim3A_274 : vector<1x32xi1>, vector<1x32xf32>
      %mul3A_276 = vector.broadcast %select_n3A_275 : vector<1x32xf32> to vector<128x32xf32>
      %mul3A_277 = arith.mulf %select_n3A_262, %mul3A_276 : vector<128x32xf32>
      %reduce_sum3A_278 = arith.constant dense<0.000000e+00> : vector<128xf32>
      %reduce_sum3A_279 = vector.multi_reduction <add>, %mul3A_277, %reduce_sum3A_278 [1] : vector<128x32xf32> to vector<128xf32>
      %broadcast_in_dim3A_280 = vector.shape_cast %reduce_sum3A_279 : vector<128xf32> to vector<128x1xf32>
      %lt3A = arith.constant 0.000000e+00 : f32
      %lt3A_281 = vector.broadcast %lt3A : f32 to vector<128x1xf32>
      %lt3A_282 = arith.cmpf olt, %broadcast_in_dim3A_280, %lt3A_281 : vector<128x1xf32>
      %jit3A_283 = arith.constant -1.000000e+00 : f32
      %jit3A_284 = arith.constant 1.000000e+00 : f32
      %broadcast_in_dim3A_285 = vector.broadcast %jit3A_283 : f32 to vector<128x1xf32>
      %broadcast_in_dim3A_286 = vector.broadcast %jit3A_284 : f32 to vector<128x1xf32>
      %select_n3A_287 = arith.select %lt3A_282, %broadcast_in_dim3A_285, %broadcast_in_dim3A_286 : vector<128x1xi1>, vector<128x1xf32>
      %neg3A = arith.constant 0.000000e+00 : f32
      %neg3A_288 = vector.broadcast %neg3A : f32 to vector<128x1xf32>
      %neg3A_289 = arith.subf %neg3A_288, %select_n3A_287 : vector<128x1xf32>
      %sqrt3A = math.sqrt %broadcast_in_dim3A_266 : vector<128x1xf32>
      %mul3A_290 = arith.mulf %neg3A_289, %sqrt3A : vector<128x1xf32>
      %mul3A_291 = vector.broadcast %mul3A_290 : vector<128x1xf32> to vector<128x32xf32>
      %mul3A_292 = vector.broadcast %select_n3A_275 : vector<1x32xf32> to vector<128x32xf32>
      %mul3A_293 = arith.mulf %mul3A_291, %mul3A_292 : vector<128x32xf32>
      %sub3A_294 = arith.subf %select_n3A_262, %mul3A_293 : vector<128x32xf32>
      %mul3A_295 = arith.mulf %sub3A_294, %sub3A_294 : vector<128x32xf32>
      %reduce_sum3A_296 = arith.constant dense<0.000000e+00> : vector<128xf32>
      %reduce_sum3A_297 = vector.multi_reduction <add>, %mul3A_295, %reduce_sum3A_296 [1] : vector<128x32xf32> to vector<128xf32>
      %broadcast_in_dim3A_298 = vector.shape_cast %reduce_sum3A_297 : vector<128xf32> to vector<128x1xf32>
      %gt3A_299 = arith.constant 1.000000e-30 : f32
      %gt3A_300 = vector.broadcast %gt3A_299 : f32 to vector<128x1xf32>
      %gt3A_301 = arith.cmpf ogt, %broadcast_in_dim3A_298, %gt3A_300 : vector<128x1xf32>
      %max3A = arith.constant 1.000000e-30 : f32
      %max3A_302 = vector.broadcast %max3A : f32 to vector<128x1xf32>
      %max3A_303 = arith.maximumf %broadcast_in_dim3A_298, %max3A_302 : vector<128x1xf32>
      %div3A = arith.constant 2.000000e+00 : f32
      %div3A_304 = vector.broadcast %div3A : f32 to vector<128x1xf32>
      %div3A_305 = arith.divf %div3A_304, %max3A_303 : vector<128x1xf32>
      %jit3A_306 = arith.constant 0.000000e+00 : f32
      %broadcast_in_dim3A_307 = vector.broadcast %jit3A_306 : f32 to vector<128x1xf32>
      %select_n3A_308 = arith.select %gt3A_301, %div3A_305, %broadcast_in_dim3A_307 : vector<128x1xi1>, vector<128x1xf32>
      %broadcast_in_dim3A_309 = vector.shape_cast %sub3A_294 : vector<128x32xf32> to vector<128x1x32xf32>
      %mul3A_310 = vector.broadcast %broadcast_in_dim3A_309 : vector<128x1x32xf32> to vector<128x32x32xf32>
      %mul3A_311 = arith.mulf %scan3A_244, %mul3A_310 : vector<128x32x32xf32>
      %reduce_sum3A_312 = arith.constant dense<0.000000e+00> : vector<128x32xf32>
      %reduce_sum3A_313 = vector.multi_reduction <add>, %mul3A_311, %reduce_sum3A_312 [2] : vector<128x32x32xf32> to vector<128x32xf32>
      %mul3A_314 = arith.mulf %sub3A_294, %reduce_sum3A_313 : vector<128x32xf32>
      %reduce_sum3A_315 = arith.constant dense<0.000000e+00> : vector<128xf32>
      %reduce_sum3A_316 = vector.multi_reduction <add>, %mul3A_314, %reduce_sum3A_315 [1] : vector<128x32xf32> to vector<128xf32>
      %broadcast_in_dim3A_317 = vector.shape_cast %reduce_sum3A_316 : vector<128xf32> to vector<128x1xf32>
      %mul3A_318 = vector.broadcast %select_n3A_308 : vector<128x1xf32> to vector<128x32xf32>
      %mul3A_319 = arith.mulf %mul3A_318, %reduce_sum3A_313 : vector<128x32xf32>
      %mul3A_320 = arith.constant 5.000000e-01 : f32
      %mul3A_321 = vector.broadcast %mul3A_320 : f32 to vector<128x1xf32>
      %mul3A_322 = arith.mulf %mul3A_321, %select_n3A_308 : vector<128x1xf32>
      %mul3A_323 = arith.mulf %mul3A_322, %select_n3A_308 : vector<128x1xf32>
      %mul3A_324 = arith.mulf %mul3A_323, %broadcast_in_dim3A_317 : vector<128x1xf32>
      %mul3A_325 = vector.broadcast %mul3A_324 : vector<128x1xf32> to vector<128x32xf32>
      %mul3A_326 = arith.mulf %mul3A_325, %sub3A_294 : vector<128x32xf32>
      %sub3A_327 = arith.subf %mul3A_319, %mul3A_326 : vector<128x32xf32>
      %broadcast_in_dim3A_328 = vector.shape_cast %sub3A_294 : vector<128x32xf32> to vector<128x32x1xf32>
      %broadcast_in_dim3A_329 = vector.shape_cast %sub3A_327 : vector<128x32xf32> to vector<128x1x32xf32>
      %mul3A_330 = vector.broadcast %broadcast_in_dim3A_328 : vector<128x32x1xf32> to vector<128x32x32xf32>
      %mul3A_331 = vector.broadcast %broadcast_in_dim3A_329 : vector<128x1x32xf32> to vector<128x32x32xf32>
      %mul3A_332 = arith.mulf %mul3A_330, %mul3A_331 : vector<128x32x32xf32>
      %sub3A_333 = arith.subf %scan3A_244, %mul3A_332 : vector<128x32x32xf32>
      %broadcast_in_dim3A_334 = vector.shape_cast %sub3A_327 : vector<128x32xf32> to vector<128x32x1xf32>
      %broadcast_in_dim3A_335 = vector.shape_cast %sub3A_294 : vector<128x32xf32> to vector<128x1x32xf32>
      %mul3A_336 = vector.broadcast %broadcast_in_dim3A_334 : vector<128x32x1xf32> to vector<128x32x32xf32>
      %mul3A_337 = vector.broadcast %broadcast_in_dim3A_335 : vector<128x1x32xf32> to vector<128x32x32xf32>
      %mul3A_338 = arith.mulf %mul3A_336, %mul3A_337 : vector<128x32x32xf32>
      %sub3A_339 = arith.subf %sub3A_333, %mul3A_338 : vector<128x32x32xf32>
      scf.yield %sub3A_339 : vector<128x32x32xf32>
    }
    %scan3A_7 = arith.constant 30 : i32
    %iota3A_8 = tpu.iota {dimensions = array<i32: 0>} : vector<32x32xi32>
    %iota3A_9 = tpu.iota {dimensions = array<i32: 1>} : vector<32x32xi32>
    %eq3A = arith.cmpi eq, %iota3A_8, %iota3A_9 : vector<32x32xi32>
    %broadcast_in_dim3A = vector.shape_cast %eq3A : vector<32x32xi1> to vector<1x32x32xi1>
    %jit3A = arith.constant 0.000000e+00 : f32
    %broadcast_in_dim3A_10 = vector.shape_cast %broadcast_in_dim3A : vector<1x32x32xi1> to vector<1x32x32xi1>
    %broadcast_in_dim3A_11 = vector.broadcast %broadcast_in_dim3A_10 : vector<1x32x32xi1> to vector<128x32x32xi1>
    %broadcast_in_dim3A_12 = vector.broadcast %jit3A : f32 to vector<128x32x32xf32>
    %select_n3A = arith.select %broadcast_in_dim3A_11, %scan3A_6, %broadcast_in_dim3A_12 : vector<128x32x32xi1>, vector<128x32x32xf32>
    %iota3A_13 = tpu.iota {dimensions = array<i32: 2>} : vector<1x1x32xi32>
    %slice3A = vector.extract_strided_slice %select_n3A {offsets = [0, 0, 1], sizes = [128, 32, 31], strides = [1, 1, 1]} : vector<128x32x32xf32> to vector<128x32x31xf32>
    %slice3A_14 = vector.extract_strided_slice %select_n3A {offsets = [0, 0, 0], sizes = [128, 32, 1], strides = [1, 1, 1]} : vector<128x32x32xf32> to vector<128x32x1xf32>
    %concatenate3A = tpu.concatenate %slice3A, %slice3A_14 in 2 : vector<128x32x31xf32>, vector<128x32x1xf32> -> vector<128x32x32xf32>
    %slice3A_15 = vector.extract_strided_slice %select_n3A {offsets = [0, 0, 31], sizes = [128, 32, 1], strides = [1, 1, 1]} : vector<128x32x32xf32> to vector<128x32x1xf32>
    %slice3A_16 = vector.extract_strided_slice %select_n3A {offsets = [0, 0, 0], sizes = [128, 32, 31], strides = [1, 1, 1]} : vector<128x32x32xf32> to vector<128x32x31xf32>
    %concatenate3A_17 = tpu.concatenate %slice3A_15, %slice3A_16 in 2 : vector<128x32x1xf32>, vector<128x32x31xf32> -> vector<128x32x32xf32>
    %and3A = arith.constant 1 : i32
    %and3A_18 = vector.broadcast %and3A : i32 to vector<1x1x32xi32>
    %and3A_19 = arith.andi %iota3A_13, %and3A_18 : vector<1x1x32xi32>
    %eq3A_20 = arith.constant 0 : i32
    %eq3A_21 = vector.broadcast %eq3A_20 : i32 to vector<1x1x32xi32>
    %eq3A_22 = arith.cmpi eq, %and3A_19, %eq3A_21 : vector<1x1x32xi32>
    %broadcast_in_dim3A_23 = vector.shape_cast %eq3A_22 : vector<1x1x32xi1> to vector<1x1x32xi1>
    %broadcast_in_dim3A_24 = vector.broadcast %broadcast_in_dim3A_23 : vector<1x1x32xi1> to vector<128x32x32xi1>
    %select_n3A_25 = arith.select %broadcast_in_dim3A_24, %concatenate3A, %concatenate3A_17 : vector<128x32x32xi1>, vector<128x32x32xf32>
    %add3A = arith.addf %select_n3A, %select_n3A_25 : vector<128x32x32xf32>
    %slice3A_26 = vector.extract_strided_slice %add3A {offsets = [0, 0, 2], sizes = [128, 32, 30], strides = [1, 1, 1]} : vector<128x32x32xf32> to vector<128x32x30xf32>
    %slice3A_27 = vector.extract_strided_slice %add3A {offsets = [0, 0, 0], sizes = [128, 32, 2], strides = [1, 1, 1]} : vector<128x32x32xf32> to vector<128x32x2xf32>
    %concatenate3A_28 = tpu.concatenate %slice3A_26, %slice3A_27 in 2 : vector<128x32x30xf32>, vector<128x32x2xf32> -> vector<128x32x32xf32>
    %slice3A_29 = vector.extract_strided_slice %add3A {offsets = [0, 0, 30], sizes = [128, 32, 2], strides = [1, 1, 1]} : vector<128x32x32xf32> to vector<128x32x2xf32>
    %slice3A_30 = vector.extract_strided_slice %add3A {offsets = [0, 0, 0], sizes = [128, 32, 30], strides = [1, 1, 1]} : vector<128x32x32xf32> to vector<128x32x30xf32>
    %concatenate3A_31 = tpu.concatenate %slice3A_29, %slice3A_30 in 2 : vector<128x32x2xf32>, vector<128x32x30xf32> -> vector<128x32x32xf32>
    %and3A_32 = arith.constant 2 : i32
    %and3A_33 = vector.broadcast %and3A_32 : i32 to vector<1x1x32xi32>
    %and3A_34 = arith.andi %iota3A_13, %and3A_33 : vector<1x1x32xi32>
    %eq3A_35 = arith.constant 0 : i32
    %eq3A_36 = vector.broadcast %eq3A_35 : i32 to vector<1x1x32xi32>
    %eq3A_37 = arith.cmpi eq, %and3A_34, %eq3A_36 : vector<1x1x32xi32>
    %broadcast_in_dim3A_38 = vector.shape_cast %eq3A_37 : vector<1x1x32xi1> to vector<1x1x32xi1>
    %broadcast_in_dim3A_39 = vector.broadcast %broadcast_in_dim3A_38 : vector<1x1x32xi1> to vector<128x32x32xi1>
    %select_n3A_40 = arith.select %broadcast_in_dim3A_39, %concatenate3A_28, %concatenate3A_31 : vector<128x32x32xi1>, vector<128x32x32xf32>
    %add3A_41 = arith.addf %add3A, %select_n3A_40 : vector<128x32x32xf32>
    %slice3A_42 = vector.extract_strided_slice %add3A_41 {offsets = [0, 0, 4], sizes = [128, 32, 28], strides = [1, 1, 1]} : vector<128x32x32xf32> to vector<128x32x28xf32>
    %slice3A_43 = vector.extract_strided_slice %add3A_41 {offsets = [0, 0, 0], sizes = [128, 32, 4], strides = [1, 1, 1]} : vector<128x32x32xf32> to vector<128x32x4xf32>
    %concatenate3A_44 = tpu.concatenate %slice3A_42, %slice3A_43 in 2 : vector<128x32x28xf32>, vector<128x32x4xf32> -> vector<128x32x32xf32>
    %slice3A_45 = vector.extract_strided_slice %add3A_41 {offsets = [0, 0, 28], sizes = [128, 32, 4], strides = [1, 1, 1]} : vector<128x32x32xf32> to vector<128x32x4xf32>
    %slice3A_46 = vector.extract_strided_slice %add3A_41 {offsets = [0, 0, 0], sizes = [128, 32, 28], strides = [1, 1, 1]} : vector<128x32x32xf32> to vector<128x32x28xf32>
    %concatenate3A_47 = tpu.concatenate %slice3A_45, %slice3A_46 in 2 : vector<128x32x4xf32>, vector<128x32x28xf32> -> vector<128x32x32xf32>
    %and3A_48 = arith.constant 4 : i32
    %and3A_49 = vector.broadcast %and3A_48 : i32 to vector<1x1x32xi32>
    %and3A_50 = arith.andi %iota3A_13, %and3A_49 : vector<1x1x32xi32>
    %eq3A_51 = arith.constant 0 : i32
    %eq3A_52 = vector.broadcast %eq3A_51 : i32 to vector<1x1x32xi32>
    %eq3A_53 = arith.cmpi eq, %and3A_50, %eq3A_52 : vector<1x1x32xi32>
    %broadcast_in_dim3A_54 = vector.shape_cast %eq3A_53 : vector<1x1x32xi1> to vector<1x1x32xi1>
    %broadcast_in_dim3A_55 = vector.broadcast %broadcast_in_dim3A_54 : vector<1x1x32xi1> to vector<128x32x32xi1>
    %select_n3A_56 = arith.select %broadcast_in_dim3A_55, %concatenate3A_44, %concatenate3A_47 : vector<128x32x32xi1>, vector<128x32x32xf32>
    %add3A_57 = arith.addf %add3A_41, %select_n3A_56 : vector<128x32x32xf32>
    %slice3A_58 = vector.extract_strided_slice %add3A_57 {offsets = [0, 0, 8], sizes = [128, 32, 24], strides = [1, 1, 1]} : vector<128x32x32xf32> to vector<128x32x24xf32>
    %slice3A_59 = vector.extract_strided_slice %add3A_57 {offsets = [0, 0, 0], sizes = [128, 32, 8], strides = [1, 1, 1]} : vector<128x32x32xf32> to vector<128x32x8xf32>
    %concatenate3A_60 = tpu.concatenate %slice3A_58, %slice3A_59 in 2 : vector<128x32x24xf32>, vector<128x32x8xf32> -> vector<128x32x32xf32>
    %slice3A_61 = vector.extract_strided_slice %add3A_57 {offsets = [0, 0, 24], sizes = [128, 32, 8], strides = [1, 1, 1]} : vector<128x32x32xf32> to vector<128x32x8xf32>
    %slice3A_62 = vector.extract_strided_slice %add3A_57 {offsets = [0, 0, 0], sizes = [128, 32, 24], strides = [1, 1, 1]} : vector<128x32x32xf32> to vector<128x32x24xf32>
    %concatenate3A_63 = tpu.concatenate %slice3A_61, %slice3A_62 in 2 : vector<128x32x8xf32>, vector<128x32x24xf32> -> vector<128x32x32xf32>
    %and3A_64 = arith.constant 8 : i32
    %and3A_65 = vector.broadcast %and3A_64 : i32 to vector<1x1x32xi32>
    %and3A_66 = arith.andi %iota3A_13, %and3A_65 : vector<1x1x32xi32>
    %eq3A_67 = arith.constant 0 : i32
    %eq3A_68 = vector.broadcast %eq3A_67 : i32 to vector<1x1x32xi32>
    %eq3A_69 = arith.cmpi eq, %and3A_66, %eq3A_68 : vector<1x1x32xi32>
    %broadcast_in_dim3A_70 = vector.shape_cast %eq3A_69 : vector<1x1x32xi1> to vector<1x1x32xi1>
    %broadcast_in_dim3A_71 = vector.broadcast %broadcast_in_dim3A_70 : vector<1x1x32xi1> to vector<128x32x32xi1>
    %select_n3A_72 = arith.select %broadcast_in_dim3A_71, %concatenate3A_60, %concatenate3A_63 : vector<128x32x32xi1>, vector<128x32x32xf32>
    %add3A_73 = arith.addf %add3A_57, %select_n3A_72 : vector<128x32x32xf32>
    %slice3A_74 = vector.extract_strided_slice %add3A_73 {offsets = [0, 0, 16], sizes = [128, 32, 16], strides = [1, 1, 1]} : vector<128x32x32xf32> to vector<128x32x16xf32>
    %slice3A_75 = vector.extract_strided_slice %add3A_73 {offsets = [0, 0, 0], sizes = [128, 32, 16], strides = [1, 1, 1]} : vector<128x32x32xf32> to vector<128x32x16xf32>
    %concatenate3A_76 = tpu.concatenate %slice3A_74, %slice3A_75 in 2 : vector<128x32x16xf32>, vector<128x32x16xf32> -> vector<128x32x32xf32>
    %slice3A_77 = vector.extract_strided_slice %add3A_73 {offsets = [0, 0, 16], sizes = [128, 32, 16], strides = [1, 1, 1]} : vector<128x32x32xf32> to vector<128x32x16xf32>
    %slice3A_78 = vector.extract_strided_slice %add3A_73 {offsets = [0, 0, 0], sizes = [128, 32, 16], strides = [1, 1, 1]} : vector<128x32x32xf32> to vector<128x32x16xf32>
    %concatenate3A_79 = tpu.concatenate %slice3A_77, %slice3A_78 in 2 : vector<128x32x16xf32>, vector<128x32x16xf32> -> vector<128x32x32xf32>
    %and3A_80 = arith.constant 16 : i32
    %and3A_81 = vector.broadcast %and3A_80 : i32 to vector<1x1x32xi32>
    %and3A_82 = arith.andi %iota3A_13, %and3A_81 : vector<1x1x32xi32>
    %eq3A_83 = arith.constant 0 : i32
    %eq3A_84 = vector.broadcast %eq3A_83 : i32 to vector<1x1x32xi32>
    %eq3A_85 = arith.cmpi eq, %and3A_82, %eq3A_84 : vector<1x1x32xi32>
    %broadcast_in_dim3A_86 = vector.shape_cast %eq3A_85 : vector<1x1x32xi1> to vector<1x1x32xi1>
    %broadcast_in_dim3A_87 = vector.broadcast %broadcast_in_dim3A_86 : vector<1x1x32xi1> to vector<128x32x32xi1>
    %select_n3A_88 = arith.select %broadcast_in_dim3A_87, %concatenate3A_76, %concatenate3A_79 : vector<128x32x32xi1>, vector<128x32x32xf32>
    %add3A_89 = arith.addf %add3A_73, %select_n3A_88 : vector<128x32x32xf32>
    %add3A_90 = arith.constant 1 : i32
    %add3A_91 = vector.broadcast %add3A_90 : i32 to vector<32x32xi32>
    %add3A_92 = arith.addi %iota3A_8, %add3A_91 : vector<32x32xi32>
    %eq3A_93 = arith.cmpi eq, %iota3A_9, %add3A_92 : vector<32x32xi32>
    %broadcast_in_dim3A_94 = vector.shape_cast %eq3A_93 : vector<32x32xi1> to vector<1x32x32xi1>
    %jit3A_95 = arith.constant 0.000000e+00 : f32
    %broadcast_in_dim3A_96 = vector.shape_cast %broadcast_in_dim3A_94 : vector<1x32x32xi1> to vector<1x32x32xi1>
    %broadcast_in_dim3A_97 = vector.broadcast %broadcast_in_dim3A_96 : vector<1x32x32xi1> to vector<128x32x32xi1>
    %broadcast_in_dim3A_98 = vector.broadcast %jit3A_95 : f32 to vector<128x32x32xf32>
    %select_n3A_99 = arith.select %broadcast_in_dim3A_97, %scan3A_6, %broadcast_in_dim3A_98 : vector<128x32x32xi1>, vector<128x32x32xf32>
    %iota3A_100 = tpu.iota {dimensions = array<i32: 2>} : vector<1x1x32xi32>
    %slice3A_101 = vector.extract_strided_slice %select_n3A_99 {offsets = [0, 0, 1], sizes = [128, 32, 31], strides = [1, 1, 1]} : vector<128x32x32xf32> to vector<128x32x31xf32>
    %slice3A_102 = vector.extract_strided_slice %select_n3A_99 {offsets = [0, 0, 0], sizes = [128, 32, 1], strides = [1, 1, 1]} : vector<128x32x32xf32> to vector<128x32x1xf32>
    %concatenate3A_103 = tpu.concatenate %slice3A_101, %slice3A_102 in 2 : vector<128x32x31xf32>, vector<128x32x1xf32> -> vector<128x32x32xf32>
    %slice3A_104 = vector.extract_strided_slice %select_n3A_99 {offsets = [0, 0, 31], sizes = [128, 32, 1], strides = [1, 1, 1]} : vector<128x32x32xf32> to vector<128x32x1xf32>
    %slice3A_105 = vector.extract_strided_slice %select_n3A_99 {offsets = [0, 0, 0], sizes = [128, 32, 31], strides = [1, 1, 1]} : vector<128x32x32xf32> to vector<128x32x31xf32>
    %concatenate3A_106 = tpu.concatenate %slice3A_104, %slice3A_105 in 2 : vector<128x32x1xf32>, vector<128x32x31xf32> -> vector<128x32x32xf32>
    %and3A_107 = arith.constant 1 : i32
    %and3A_108 = vector.broadcast %and3A_107 : i32 to vector<1x1x32xi32>
    %and3A_109 = arith.andi %iota3A_100, %and3A_108 : vector<1x1x32xi32>
    %eq3A_110 = arith.constant 0 : i32
    %eq3A_111 = vector.broadcast %eq3A_110 : i32 to vector<1x1x32xi32>
    %eq3A_112 = arith.cmpi eq, %and3A_109, %eq3A_111 : vector<1x1x32xi32>
    %broadcast_in_dim3A_113 = vector.shape_cast %eq3A_112 : vector<1x1x32xi1> to vector<1x1x32xi1>
    %broadcast_in_dim3A_114 = vector.broadcast %broadcast_in_dim3A_113 : vector<1x1x32xi1> to vector<128x32x32xi1>
    %select_n3A_115 = arith.select %broadcast_in_dim3A_114, %concatenate3A_103, %concatenate3A_106 : vector<128x32x32xi1>, vector<128x32x32xf32>
    %add3A_116 = arith.addf %select_n3A_99, %select_n3A_115 : vector<128x32x32xf32>
    %slice3A_117 = vector.extract_strided_slice %add3A_116 {offsets = [0, 0, 2], sizes = [128, 32, 30], strides = [1, 1, 1]} : vector<128x32x32xf32> to vector<128x32x30xf32>
    %slice3A_118 = vector.extract_strided_slice %add3A_116 {offsets = [0, 0, 0], sizes = [128, 32, 2], strides = [1, 1, 1]} : vector<128x32x32xf32> to vector<128x32x2xf32>
    %concatenate3A_119 = tpu.concatenate %slice3A_117, %slice3A_118 in 2 : vector<128x32x30xf32>, vector<128x32x2xf32> -> vector<128x32x32xf32>
    %slice3A_120 = vector.extract_strided_slice %add3A_116 {offsets = [0, 0, 30], sizes = [128, 32, 2], strides = [1, 1, 1]} : vector<128x32x32xf32> to vector<128x32x2xf32>
    %slice3A_121 = vector.extract_strided_slice %add3A_116 {offsets = [0, 0, 0], sizes = [128, 32, 30], strides = [1, 1, 1]} : vector<128x32x32xf32> to vector<128x32x30xf32>
    %concatenate3A_122 = tpu.concatenate %slice3A_120, %slice3A_121 in 2 : vector<128x32x2xf32>, vector<128x32x30xf32> -> vector<128x32x32xf32>
    %and3A_123 = arith.constant 2 : i32
    %and3A_124 = vector.broadcast %and3A_123 : i32 to vector<1x1x32xi32>
    %and3A_125 = arith.andi %iota3A_100, %and3A_124 : vector<1x1x32xi32>
    %eq3A_126 = arith.constant 0 : i32
    %eq3A_127 = vector.broadcast %eq3A_126 : i32 to vector<1x1x32xi32>
    %eq3A_128 = arith.cmpi eq, %and3A_125, %eq3A_127 : vector<1x1x32xi32>
    %broadcast_in_dim3A_129 = vector.shape_cast %eq3A_128 : vector<1x1x32xi1> to vector<1x1x32xi1>
    %broadcast_in_dim3A_130 = vector.broadcast %broadcast_in_dim3A_129 : vector<1x1x32xi1> to vector<128x32x32xi1>
    %select_n3A_131 = arith.select %broadcast_in_dim3A_130, %concatenate3A_119, %concatenate3A_122 : vector<128x32x32xi1>, vector<128x32x32xf32>
    %add3A_132 = arith.addf %add3A_116, %select_n3A_131 : vector<128x32x32xf32>
    %slice3A_133 = vector.extract_strided_slice %add3A_132 {offsets = [0, 0, 4], sizes = [128, 32, 28], strides = [1, 1, 1]} : vector<128x32x32xf32> to vector<128x32x28xf32>
    %slice3A_134 = vector.extract_strided_slice %add3A_132 {offsets = [0, 0, 0], sizes = [128, 32, 4], strides = [1, 1, 1]} : vector<128x32x32xf32> to vector<128x32x4xf32>
    %concatenate3A_135 = tpu.concatenate %slice3A_133, %slice3A_134 in 2 : vector<128x32x28xf32>, vector<128x32x4xf32> -> vector<128x32x32xf32>
    %slice3A_136 = vector.extract_strided_slice %add3A_132 {offsets = [0, 0, 28], sizes = [128, 32, 4], strides = [1, 1, 1]} : vector<128x32x32xf32> to vector<128x32x4xf32>
    %slice3A_137 = vector.extract_strided_slice %add3A_132 {offsets = [0, 0, 0], sizes = [128, 32, 28], strides = [1, 1, 1]} : vector<128x32x32xf32> to vector<128x32x28xf32>
    %concatenate3A_138 = tpu.concatenate %slice3A_136, %slice3A_137 in 2 : vector<128x32x4xf32>, vector<128x32x28xf32> -> vector<128x32x32xf32>
    %and3A_139 = arith.constant 4 : i32
    %and3A_140 = vector.broadcast %and3A_139 : i32 to vector<1x1x32xi32>
    %and3A_141 = arith.andi %iota3A_100, %and3A_140 : vector<1x1x32xi32>
    %eq3A_142 = arith.constant 0 : i32
    %eq3A_143 = vector.broadcast %eq3A_142 : i32 to vector<1x1x32xi32>
    %eq3A_144 = arith.cmpi eq, %and3A_141, %eq3A_143 : vector<1x1x32xi32>
    %broadcast_in_dim3A_145 = vector.shape_cast %eq3A_144 : vector<1x1x32xi1> to vector<1x1x32xi1>
    %broadcast_in_dim3A_146 = vector.broadcast %broadcast_in_dim3A_145 : vector<1x1x32xi1> to vector<128x32x32xi1>
    %select_n3A_147 = arith.select %broadcast_in_dim3A_146, %concatenate3A_135, %concatenate3A_138 : vector<128x32x32xi1>, vector<128x32x32xf32>
    %add3A_148 = arith.addf %add3A_132, %select_n3A_147 : vector<128x32x32xf32>
    %slice3A_149 = vector.extract_strided_slice %add3A_148 {offsets = [0, 0, 8], sizes = [128, 32, 24], strides = [1, 1, 1]} : vector<128x32x32xf32> to vector<128x32x24xf32>
    %slice3A_150 = vector.extract_strided_slice %add3A_148 {offsets = [0, 0, 0], sizes = [128, 32, 8], strides = [1, 1, 1]} : vector<128x32x32xf32> to vector<128x32x8xf32>
    %concatenate3A_151 = tpu.concatenate %slice3A_149, %slice3A_150 in 2 : vector<128x32x24xf32>, vector<128x32x8xf32> -> vector<128x32x32xf32>
    %slice3A_152 = vector.extract_strided_slice %add3A_148 {offsets = [0, 0, 24], sizes = [128, 32, 8], strides = [1, 1, 1]} : vector<128x32x32xf32> to vector<128x32x8xf32>
    %slice3A_153 = vector.extract_strided_slice %add3A_148 {offsets = [0, 0, 0], sizes = [128, 32, 24], strides = [1, 1, 1]} : vector<128x32x32xf32> to vector<128x32x24xf32>
    %concatenate3A_154 = tpu.concatenate %slice3A_152, %slice3A_153 in 2 : vector<128x32x8xf32>, vector<128x32x24xf32> -> vector<128x32x32xf32>
    %and3A_155 = arith.constant 8 : i32
    %and3A_156 = vector.broadcast %and3A_155 : i32 to vector<1x1x32xi32>
    %and3A_157 = arith.andi %iota3A_100, %and3A_156 : vector<1x1x32xi32>
    %eq3A_158 = arith.constant 0 : i32
    %eq3A_159 = vector.broadcast %eq3A_158 : i32 to vector<1x1x32xi32>
    %eq3A_160 = arith.cmpi eq, %and3A_157, %eq3A_159 : vector<1x1x32xi32>
    %broadcast_in_dim3A_161 = vector.shape_cast %eq3A_160 : vector<1x1x32xi1> to vector<1x1x32xi1>
    %broadcast_in_dim3A_162 = vector.broadcast %broadcast_in_dim3A_161 : vector<1x1x32xi1> to vector<128x32x32xi1>
    %select_n3A_163 = arith.select %broadcast_in_dim3A_162, %concatenate3A_151, %concatenate3A_154 : vector<128x32x32xi1>, vector<128x32x32xf32>
    %add3A_164 = arith.addf %add3A_148, %select_n3A_163 : vector<128x32x32xf32>
    %slice3A_165 = vector.extract_strided_slice %add3A_164 {offsets = [0, 0, 16], sizes = [128, 32, 16], strides = [1, 1, 1]} : vector<128x32x32xf32> to vector<128x32x16xf32>
    %slice3A_166 = vector.extract_strided_slice %add3A_164 {offsets = [0, 0, 0], sizes = [128, 32, 16], strides = [1, 1, 1]} : vector<128x32x32xf32> to vector<128x32x16xf32>
    %concatenate3A_167 = tpu.concatenate %slice3A_165, %slice3A_166 in 2 : vector<128x32x16xf32>, vector<128x32x16xf32> -> vector<128x32x32xf32>
    %slice3A_168 = vector.extract_strided_slice %add3A_164 {offsets = [0, 0, 16], sizes = [128, 32, 16], strides = [1, 1, 1]} : vector<128x32x32xf32> to vector<128x32x16xf32>
    %slice3A_169 = vector.extract_strided_slice %add3A_164 {offsets = [0, 0, 0], sizes = [128, 32, 16], strides = [1, 1, 1]} : vector<128x32x32xf32> to vector<128x32x16xf32>
    %concatenate3A_170 = tpu.concatenate %slice3A_168, %slice3A_169 in 2 : vector<128x32x16xf32>, vector<128x32x16xf32> -> vector<128x32x32xf32>
    %and3A_171 = arith.constant 16 : i32
    %and3A_172 = vector.broadcast %and3A_171 : i32 to vector<1x1x32xi32>
    %and3A_173 = arith.andi %iota3A_100, %and3A_172 : vector<1x1x32xi32>
    %eq3A_174 = arith.constant 0 : i32
    %eq3A_175 = vector.broadcast %eq3A_174 : i32 to vector<1x1x32xi32>
    %eq3A_176 = arith.cmpi eq, %and3A_173, %eq3A_175 : vector<1x1x32xi32>
    %broadcast_in_dim3A_177 = vector.shape_cast %eq3A_176 : vector<1x1x32xi1> to vector<1x1x32xi1>
    %broadcast_in_dim3A_178 = vector.broadcast %broadcast_in_dim3A_177 : vector<1x1x32xi1> to vector<128x32x32xi1>
    %select_n3A_179 = arith.select %broadcast_in_dim3A_178, %concatenate3A_167, %concatenate3A_170 : vector<128x32x32xi1>, vector<128x32x32xf32>
    %add3A_180 = arith.addf %add3A_164, %select_n3A_179 : vector<128x32x32xf32>
    %mul3A = arith.mulf %add3A_180, %add3A_180 : vector<128x32x32xf32>
    %eq3A_181 = arith.cmpi eq, %iota3A_8, %iota3A_9 : vector<32x32xi32>
    %broadcast_in_dim3A_182 = vector.shape_cast %eq3A_181 : vector<32x32xi1> to vector<1x32x32xi1>
    %jit3A_183 = arith.constant 0.000000e+00 : f32
    %broadcast_in_dim3A_184 = vector.shape_cast %broadcast_in_dim3A_182 : vector<1x32x32xi1> to vector<1x32x32xi1>
    %broadcast_in_dim3A_185 = vector.broadcast %broadcast_in_dim3A_184 : vector<1x32x32xi1> to vector<128x32x32xi1>
    %broadcast_in_dim3A_186 = vector.broadcast %jit3A_183 : f32 to vector<128x32x32xf32>
    %select_n3A_187 = arith.select %broadcast_in_dim3A_185, %scan3A_6, %broadcast_in_dim3A_186 : vector<128x32x32xi1>, vector<128x32x32xf32>
    %reduce_sum3A = arith.constant dense<0.000000e+00> : vector<128x32xf32>
    %reduce_sum3A_188 = vector.multi_reduction <add>, %select_n3A_187, %reduce_sum3A [2] : vector<128x32x32xf32> to vector<128x32xf32>
    %add3A_189 = arith.constant 1 : i32
    %add3A_190 = vector.broadcast %add3A_189 : i32 to vector<32x32xi32>
    %add3A_191 = arith.addi %iota3A_8, %add3A_190 : vector<32x32xi32>
    %eq3A_192 = arith.cmpi eq, %iota3A_9, %add3A_191 : vector<32x32xi32>
    %broadcast_in_dim3A_193 = vector.shape_cast %eq3A_192 : vector<32x32xi1> to vector<1x32x32xi1>
    %jit3A_194 = arith.constant 0.000000e+00 : f32
    %broadcast_in_dim3A_195 = vector.shape_cast %broadcast_in_dim3A_193 : vector<1x32x32xi1> to vector<1x32x32xi1>
    %broadcast_in_dim3A_196 = vector.broadcast %broadcast_in_dim3A_195 : vector<1x32x32xi1> to vector<128x32x32xi1>
    %broadcast_in_dim3A_197 = vector.broadcast %jit3A_194 : f32 to vector<128x32x32xf32>
    %select_n3A_198 = arith.select %broadcast_in_dim3A_196, %scan3A_6, %broadcast_in_dim3A_197 : vector<128x32x32xi1>, vector<128x32x32xf32>
    %reduce_sum3A_199 = arith.constant dense<0.000000e+00> : vector<128x32xf32>
    %reduce_sum3A_200 = vector.multi_reduction <add>, %select_n3A_198, %reduce_sum3A_199 [2] : vector<128x32x32xf32> to vector<128x32xf32>
    %eq3A_201 = arith.constant 0 : i32
    %eq3A_202 = vector.broadcast %eq3A_201 : i32 to vector<1x32xi32>
    %eq3A_203 = arith.cmpi eq, %iota3A, %eq3A_202 : vector<1x32xi32>
    %slice3A_204 = vector.extract_strided_slice %reduce_sum3A_200 {offsets = [0, 31], sizes = [128, 1], strides = [1, 1]} : vector<128x32xf32> to vector<128x1xf32>
    %slice3A_205 = vector.extract_strided_slice %reduce_sum3A_200 {offsets = [0, 0], sizes = [128, 31], strides = [1, 1]} : vector<128x32xf32> to vector<128x31xf32>
    %concatenate3A_206 = tpu.concatenate %slice3A_204, %slice3A_205 in 1 : vector<128x1xf32>, vector<128x31xf32> -> vector<128x32xf32>
    %jit3A_207 = arith.constant 0.000000e+00 : f32
    %broadcast_in_dim3A_208 = vector.shape_cast %eq3A_203 : vector<1x32xi1> to vector<1x32xi1>
    %broadcast_in_dim3A_209 = vector.broadcast %broadcast_in_dim3A_208 : vector<1x32xi1> to vector<128x32xi1>
    %broadcast_in_dim3A_210 = vector.broadcast %jit3A_207 : f32 to vector<128x32xf32>
    %select_n3A_211 = arith.select %broadcast_in_dim3A_209, %broadcast_in_dim3A_210, %concatenate3A_206 : vector<128x32xi1>, vector<128x32xf32>
    %abs3A = math.absf %reduce_sum3A_200 : vector<128x32xf32>
    %abs3A_212 = math.absf %select_n3A_211 : vector<128x32xf32>
    %add3A_213 = arith.addf %abs3A, %abs3A_212 : vector<128x32xf32>
    %sub3A = arith.subf %reduce_sum3A_188, %add3A_213 : vector<128x32xf32>
    %reduce_min3A = arith.constant dense<0x7F800000> : vector<128xf32>
    %reduce_min3A_214 = vector.multi_reduction <minimumf>, %sub3A, %reduce_min3A [1] : vector<128x32xf32> to vector<128xf32>
    %broadcast_in_dim3A_215 = vector.shape_cast %reduce_min3A_214 : vector<128xf32> to vector<128x1xf32>
    %broadcast_in_dim3A_216 = arith.constant 0.000000e+00 : f32
    %broadcast_in_dim3A_217 = vector.broadcast %broadcast_in_dim3A_216 : f32 to vector<128x32xf32>
    %add3A_218 = vector.broadcast %broadcast_in_dim3A_215 : vector<128x1xf32> to vector<128x32xf32>
    %add3A_219 = arith.addf %add3A_218, %broadcast_in_dim3A_217 : vector<128x32xf32>
    %add3A_220 = arith.addf %reduce_sum3A_188, %add3A_213 : vector<128x32xf32>
    %reduce_max3A = arith.constant dense<0xFF800000> : vector<128xf32>
    %reduce_max3A_221 = vector.multi_reduction <maximumf>, %add3A_220, %reduce_max3A [1] : vector<128x32xf32> to vector<128xf32>
    %broadcast_in_dim3A_222 = vector.shape_cast %reduce_max3A_221 : vector<128xf32> to vector<128x1xf32>
    %broadcast_in_dim3A_223 = arith.constant 0.000000e+00 : f32
    %broadcast_in_dim3A_224 = vector.broadcast %broadcast_in_dim3A_223 : f32 to vector<128x32xf32>
    %add3A_225 = vector.broadcast %broadcast_in_dim3A_222 : vector<128x1xf32> to vector<128x32xf32>
    %add3A_226 = arith.addf %add3A_225, %broadcast_in_dim3A_224 : vector<128x32xf32>
    %convert_element_type3A = arith.sitofp %iota3A : vector<1x32xi32> to vector<1x32xf32>
    %scan3A_227 = arith.constant 0 : i32
    %scan3A_228 = arith.constant 24 : i32
    %scan3A_229 = arith.addi %scan3A_227, %scan3A_228 : i32
    %scan3A_230 = arith.constant 1 : i32
    %scan3A_231:2 = scf.for %scan3A_243 = %scan3A_227 to %scan3A_229 step %scan3A_230 iter_args(%scan3A_244 = %add3A_219, %scan3A_245 = %add3A_226) -> (vector<128x32xf32>, vector<128x32xf32>)  : i32 {
      %add3A_246 = arith.addf %scan3A_244, %scan3A_245 : vector<128x32xf32>
      %mul3A_247 = arith.constant 5.000000e-01 : f32
      %mul3A_248 = vector.broadcast %mul3A_247 : f32 to vector<128x32xf32>
      %mul3A_249 = arith.mulf %mul3A_248, %add3A_246 : vector<128x32xf32>
      %slice3A_250 = vector.extract_strided_slice %add3A_89 {offsets = [0, 0, 0], sizes = [128, 1, 32], strides = [1, 1, 1]} : vector<128x32x32xf32> to vector<128x1x32xf32>
      %squeeze3A = vector.shape_cast %slice3A_250 : vector<128x1x32xf32> to vector<128x32xf32>
      %sub3A_251 = arith.subf %squeeze3A, %mul3A_249 : vector<128x32xf32>
      %lt3A = arith.constant 0.000000e+00 : f32
      %lt3A_252 = vector.broadcast %lt3A : f32 to vector<128x32xf32>
      %lt3A_253 = arith.cmpf olt, %sub3A_251, %lt3A_252 : vector<128x32xf32>
      %jit3A_254 = arith.constant 1.000000e+00 : f32
      %jit3A_255 = arith.constant 0.000000e+00 : f32
      %broadcast_in_dim3A_256 = vector.broadcast %jit3A_254 : f32 to vector<128x32xf32>
      %broadcast_in_dim3A_257 = vector.broadcast %jit3A_255 : f32 to vector<128x32xf32>
      %select_n3A_258 = arith.select %lt3A_253, %broadcast_in_dim3A_256, %broadcast_in_dim3A_257 : vector<128x32xi1>, vector<128x32xf32>
      %abs3A_259 = math.absf %sub3A_251 : vector<128x32xf32>
      %lt3A_260 = arith.constant 9.99999993E-9 : f32
      %lt3A_261 = vector.broadcast %lt3A_260 : f32 to vector<128x32xf32>
      %lt3A_262 = arith.cmpf olt, %abs3A_259, %lt3A_261 : vector<128x32xf32>
      %jit3A_263 = arith.constant -9.99999993E-9 : f32
      %broadcast_in_dim3A_264 = vector.broadcast %jit3A_263 : f32 to vector<128x32xf32>
      %select_n3A_265 = arith.select %lt3A_262, %broadcast_in_dim3A_264, %sub3A_251 : vector<128x32xi1>, vector<128x32xf32>
      %slice3A_266 = vector.extract_strided_slice %add3A_89 {offsets = [0, 1, 0], sizes = [128, 1, 32], strides = [1, 1, 1]} : vector<128x32x32xf32> to vector<128x1x32xf32>
      %squeeze3A_267 = vector.shape_cast %slice3A_266 : vector<128x1x32xf32> to vector<128x32xf32>
      %sub3A_268 = arith.subf %squeeze3A_267, %mul3A_249 : vector<128x32xf32>
      %slice3A_269 = vector.extract_strided_slice %mul3A {offsets = [0, 0, 0], sizes = [128, 1, 32], strides = [1, 1, 1]} : vector<128x32x32xf32> to vector<128x1x32xf32>
      %squeeze3A_270 = vector.shape_cast %slice3A_269 : vector<128x1x32xf32> to vector<128x32xf32>
      %div3A = arith.divf %squeeze3A_270, %select_n3A_265 : vector<128x32xf32>
      %sub3A_271 = arith.subf %sub3A_268, %div3A : vector<128x32xf32>
      %lt3A_272 = arith.constant 0.000000e+00 : f32
      %lt3A_273 = vector.broadcast %lt3A_272 : f32 to vector<128x32xf32>
      %lt3A_274 = arith.cmpf olt, %sub3A_271, %lt3A_273 : vector<128x32xf32>
      %jit3A_275 = arith.constant 1.000000e+00 : f32
      %jit3A_276 = arith.constant 0.000000e+00 : f32
      %broadcast_in_dim3A_277 = vector.broadcast %jit3A_275 : f32 to vector<128x32xf32>
      %broadcast_in_dim3A_278 = vector.broadcast %jit3A_276 : f32 to vector<128x32xf32>
      %select_n3A_279 = arith.select %lt3A_274, %broadcast_in_dim3A_277, %broadcast_in_dim3A_278 : vector<128x32xi1>, vector<128x32xf32>
      %add3A_280 = arith.addf %select_n3A_258, %select_n3A_279 : vector<128x32xf32>
      %abs3A_281 = math.absf %sub3A_271 : vector<128x32xf32>
      %lt3A_282 = arith.constant 9.99999993E-9 : f32
      %lt3A_283 = vector.broadcast %lt3A_282 : f32 to vector<128x32xf32>
      %lt3A_284 = arith.cmpf olt, %abs3A_281, %lt3A_283 : vector<128x32xf32>
      %jit3A_285 = arith.constant -9.99999993E-9 : f32
      %broadcast_in_dim3A_286 = vector.broadcast %jit3A_285 : f32 to vector<128x32xf32>
      %select_n3A_287 = arith.select %lt3A_284, %broadcast_in_dim3A_286, %sub3A_271 : vector<128x32xi1>, vector<128x32xf32>
      %slice3A_288 = vector.extract_strided_slice %add3A_89 {offsets = [0, 2, 0], sizes = [128, 1, 32], strides = [1, 1, 1]} : vector<128x32x32xf32> to vector<128x1x32xf32>
      %squeeze3A_289 = vector.shape_cast %slice3A_288 : vector<128x1x32xf32> to vector<128x32xf32>
      %sub3A_290 = arith.subf %squeeze3A_289, %mul3A_249 : vector<128x32xf32>
      %slice3A_291 = vector.extract_strided_slice %mul3A {offsets = [0, 1, 0], sizes = [128, 1, 32], strides = [1, 1, 1]} : vector<128x32x32xf32> to vector<128x1x32xf32>
      %squeeze3A_292 = vector.shape_cast %slice3A_291 : vector<128x1x32xf32> to vector<128x32xf32>
      %div3A_293 = arith.divf %squeeze3A_292, %select_n3A_287 : vector<128x32xf32>
      %sub3A_294 = arith.subf %sub3A_290, %div3A_293 : vector<128x32xf32>
      %lt3A_295 = arith.constant 0.000000e+00 : f32
      %lt3A_296 = vector.broadcast %lt3A_295 : f32 to vector<128x32xf32>
      %lt3A_297 = arith.cmpf olt, %sub3A_294, %lt3A_296 : vector<128x32xf32>
      %jit3A_298 = arith.constant 1.000000e+00 : f32
      %jit3A_299 = arith.constant 0.000000e+00 : f32
      %broadcast_in_dim3A_300 = vector.broadcast %jit3A_298 : f32 to vector<128x32xf32>
      %broadcast_in_dim3A_301 = vector.broadcast %jit3A_299 : f32 to vector<128x32xf32>
      %select_n3A_302 = arith.select %lt3A_297, %broadcast_in_dim3A_300, %broadcast_in_dim3A_301 : vector<128x32xi1>, vector<128x32xf32>
      %add3A_303 = arith.addf %add3A_280, %select_n3A_302 : vector<128x32xf32>
      %abs3A_304 = math.absf %sub3A_294 : vector<128x32xf32>
      %lt3A_305 = arith.constant 9.99999993E-9 : f32
      %lt3A_306 = vector.broadcast %lt3A_305 : f32 to vector<128x32xf32>
      %lt3A_307 = arith.cmpf olt, %abs3A_304, %lt3A_306 : vector<128x32xf32>
      %jit3A_308 = arith.constant -9.99999993E-9 : f32
      %broadcast_in_dim3A_309 = vector.broadcast %jit3A_308 : f32 to vector<128x32xf32>
      %select_n3A_310 = arith.select %lt3A_307, %broadcast_in_dim3A_309, %sub3A_294 : vector<128x32xi1>, vector<128x32xf32>
      %slice3A_311 = vector.extract_strided_slice %add3A_89 {offsets = [0, 3, 0], sizes = [128, 1, 32], strides = [1, 1, 1]} : vector<128x32x32xf32> to vector<128x1x32xf32>
      %squeeze3A_312 = vector.shape_cast %slice3A_311 : vector<128x1x32xf32> to vector<128x32xf32>
      %sub3A_313 = arith.subf %squeeze3A_312, %mul3A_249 : vector<128x32xf32>
      %slice3A_314 = vector.extract_strided_slice %mul3A {offsets = [0, 2, 0], sizes = [128, 1, 32], strides = [1, 1, 1]} : vector<128x32x32xf32> to vector<128x1x32xf32>
      %squeeze3A_315 = vector.shape_cast %slice3A_314 : vector<128x1x32xf32> to vector<128x32xf32>
      %div3A_316 = arith.divf %squeeze3A_315, %select_n3A_310 : vector<128x32xf32>
      %sub3A_317 = arith.subf %sub3A_313, %div3A_316 : vector<128x32xf32>
      %lt3A_318 = arith.constant 0.000000e+00 : f32
      %lt3A_319 = vector.broadcast %lt3A_318 : f32 to vector<128x32xf32>
      %lt3A_320 = arith.cmpf olt, %sub3A_317, %lt3A_319 : vector<128x32xf32>
      %jit3A_321 = arith.constant 1.000000e+00 : f32
      %jit3A_322 = arith.constant 0.000000e+00 : f32
      %broadcast_in_dim3A_323 = vector.broadcast %jit3A_321 : f32 to vector<128x32xf32>
      %broadcast_in_dim3A_324 = vector.broadcast %jit3A_322 : f32 to vector<128x32xf32>
      %select_n3A_325 = arith.select %lt3A_320, %broadcast_in_dim3A_323, %broadcast_in_dim3A_324 : vector<128x32xi1>, vector<128x32xf32>
      %add3A_326 = arith.addf %add3A_303, %select_n3A_325 : vector<128x32xf32>
      %abs3A_327 = math.absf %sub3A_317 : vector<128x32xf32>
      %lt3A_328 = arith.constant 9.99999993E-9 : f32
      %lt3A_329 = vector.broadcast %lt3A_328 : f32 to vector<128x32xf32>
      %lt3A_330 = arith.cmpf olt, %abs3A_327, %lt3A_329 : vector<128x32xf32>
      %jit3A_331 = arith.constant -9.99999993E-9 : f32
      %broadcast_in_dim3A_332 = vector.broadcast %jit3A_331 : f32 to vector<128x32xf32>
      %select_n3A_333 = arith.select %lt3A_330, %broadcast_in_dim3A_332, %sub3A_317 : vector<128x32xi1>, vector<128x32xf32>
      %slice3A_334 = vector.extract_strided_slice %add3A_89 {offsets = [0, 4, 0], sizes = [128, 1, 32], strides = [1, 1, 1]} : vector<128x32x32xf32> to vector<128x1x32xf32>
      %squeeze3A_335 = vector.shape_cast %slice3A_334 : vector<128x1x32xf32> to vector<128x32xf32>
      %sub3A_336 = arith.subf %squeeze3A_335, %mul3A_249 : vector<128x32xf32>
      %slice3A_337 = vector.extract_strided_slice %mul3A {offsets = [0, 3, 0], sizes = [128, 1, 32], strides = [1, 1, 1]} : vector<128x32x32xf32> to vector<128x1x32xf32>
      %squeeze3A_338 = vector.shape_cast %slice3A_337 : vector<128x1x32xf32> to vector<128x32xf32>
      %div3A_339 = arith.divf %squeeze3A_338, %select_n3A_333 : vector<128x32xf32>
      %sub3A_340 = arith.subf %sub3A_336, %div3A_339 : vector<128x32xf32>
      %lt3A_341 = arith.constant 0.000000e+00 : f32
      %lt3A_342 = vector.broadcast %lt3A_341 : f32 to vector<128x32xf32>
      %lt3A_343 = arith.cmpf olt, %sub3A_340, %lt3A_342 : vector<128x32xf32>
      %jit3A_344 = arith.constant 1.000000e+00 : f32
      %jit3A_345 = arith.constant 0.000000e+00 : f32
      %broadcast_in_dim3A_346 = vector.broadcast %jit3A_344 : f32 to vector<128x32xf32>
      %broadcast_in_dim3A_347 = vector.broadcast %jit3A_345 : f32 to vector<128x32xf32>
      %select_n3A_348 = arith.select %lt3A_343, %broadcast_in_dim3A_346, %broadcast_in_dim3A_347 : vector<128x32xi1>, vector<128x32xf32>
      %add3A_349 = arith.addf %add3A_326, %select_n3A_348 : vector<128x32xf32>
      %abs3A_350 = math.absf %sub3A_340 : vector<128x32xf32>
      %lt3A_351 = arith.constant 9.99999993E-9 : f32
      %lt3A_352 = vector.broadcast %lt3A_351 : f32 to vector<128x32xf32>
      %lt3A_353 = arith.cmpf olt, %abs3A_350, %lt3A_352 : vector<128x32xf32>
      %jit3A_354 = arith.constant -9.99999993E-9 : f32
      %broadcast_in_dim3A_355 = vector.broadcast %jit3A_354 : f32 to vector<128x32xf32>
      %select_n3A_356 = arith.select %lt3A_353, %broadcast_in_dim3A_355, %sub3A_340 : vector<128x32xi1>, vector<128x32xf32>
      %slice3A_357 = vector.extract_strided_slice %add3A_89 {offsets = [0, 5, 0], sizes = [128, 1, 32], strides = [1, 1, 1]} : vector<128x32x32xf32> to vector<128x1x32xf32>
      %squeeze3A_358 = vector.shape_cast %slice3A_357 : vector<128x1x32xf32> to vector<128x32xf32>
      %sub3A_359 = arith.subf %squeeze3A_358, %mul3A_249 : vector<128x32xf32>
      %slice3A_360 = vector.extract_strided_slice %mul3A {offsets = [0, 4, 0], sizes = [128, 1, 32], strides = [1, 1, 1]} : vector<128x32x32xf32> to vector<128x1x32xf32>
      %squeeze3A_361 = vector.shape_cast %slice3A_360 : vector<128x1x32xf32> to vector<128x32xf32>
      %div3A_362 = arith.divf %squeeze3A_361, %select_n3A_356 : vector<128x32xf32>
      %sub3A_363 = arith.subf %sub3A_359, %div3A_362 : vector<128x32xf32>
      %lt3A_364 = arith.constant 0.000000e+00 : f32
      %lt3A_365 = vector.broadcast %lt3A_364 : f32 to vector<128x32xf32>
      %lt3A_366 = arith.cmpf olt, %sub3A_363, %lt3A_365 : vector<128x32xf32>
      %jit3A_367 = arith.constant 1.000000e+00 : f32
      %jit3A_368 = arith.constant 0.000000e+00 : f32
      %broadcast_in_dim3A_369 = vector.broadcast %jit3A_367 : f32 to vector<128x32xf32>
      %broadcast_in_dim3A_370 = vector.broadcast %jit3A_368 : f32 to vector<128x32xf32>
      %select_n3A_371 = arith.select %lt3A_366, %broadcast_in_dim3A_369, %broadcast_in_dim3A_370 : vector<128x32xi1>, vector<128x32xf32>
      %add3A_372 = arith.addf %add3A_349, %select_n3A_371 : vector<128x32xf32>
      %abs3A_373 = math.absf %sub3A_363 : vector<128x32xf32>
      %lt3A_374 = arith.constant 9.99999993E-9 : f32
      %lt3A_375 = vector.broadcast %lt3A_374 : f32 to vector<128x32xf32>
      %lt3A_376 = arith.cmpf olt, %abs3A_373, %lt3A_375 : vector<128x32xf32>
      %jit3A_377 = arith.constant -9.99999993E-9 : f32
      %broadcast_in_dim3A_378 = vector.broadcast %jit3A_377 : f32 to vector<128x32xf32>
      %select_n3A_379 = arith.select %lt3A_376, %broadcast_in_dim3A_378, %sub3A_363 : vector<128x32xi1>, vector<128x32xf32>
      %slice3A_380 = vector.extract_strided_slice %add3A_89 {offsets = [0, 6, 0], sizes = [128, 1, 32], strides = [1, 1, 1]} : vector<128x32x32xf32> to vector<128x1x32xf32>
      %squeeze3A_381 = vector.shape_cast %slice3A_380 : vector<128x1x32xf32> to vector<128x32xf32>
      %sub3A_382 = arith.subf %squeeze3A_381, %mul3A_249 : vector<128x32xf32>
      %slice3A_383 = vector.extract_strided_slice %mul3A {offsets = [0, 5, 0], sizes = [128, 1, 32], strides = [1, 1, 1]} : vector<128x32x32xf32> to vector<128x1x32xf32>
      %squeeze3A_384 = vector.shape_cast %slice3A_383 : vector<128x1x32xf32> to vector<128x32xf32>
      %div3A_385 = arith.divf %squeeze3A_384, %select_n3A_379 : vector<128x32xf32>
      %sub3A_386 = arith.subf %sub3A_382, %div3A_385 : vector<128x32xf32>
      %lt3A_387 = arith.constant 0.000000e+00 : f32
      %lt3A_388 = vector.broadcast %lt3A_387 : f32 to vector<128x32xf32>
      %lt3A_389 = arith.cmpf olt, %sub3A_386, %lt3A_388 : vector<128x32xf32>
      %jit3A_390 = arith.constant 1.000000e+00 : f32
      %jit3A_391 = arith.constant 0.000000e+00 : f32
      %broadcast_in_dim3A_392 = vector.broadcast %jit3A_390 : f32 to vector<128x32xf32>
      %broadcast_in_dim3A_393 = vector.broadcast %jit3A_391 : f32 to vector<128x32xf32>
      %select_n3A_394 = arith.select %lt3A_389, %broadcast_in_dim3A_392, %broadcast_in_dim3A_393 : vector<128x32xi1>, vector<128x32xf32>
      %add3A_395 = arith.addf %add3A_372, %select_n3A_394 : vector<128x32xf32>
      %abs3A_396 = math.absf %sub3A_386 : vector<128x32xf32>
      %lt3A_397 = arith.constant 9.99999993E-9 : f32
      %lt3A_398 = vector.broadcast %lt3A_397 : f32 to vector<128x32xf32>
      %lt3A_399 = arith.cmpf olt, %abs3A_396, %lt3A_398 : vector<128x32xf32>
      %jit3A_400 = arith.constant -9.99999993E-9 : f32
      %broadcast_in_dim3A_401 = vector.broadcast %jit3A_400 : f32 to vector<128x32xf32>
      %select_n3A_402 = arith.select %lt3A_399, %broadcast_in_dim3A_401, %sub3A_386 : vector<128x32xi1>, vector<128x32xf32>
      %slice3A_403 = vector.extract_strided_slice %add3A_89 {offsets = [0, 7, 0], sizes = [128, 1, 32], strides = [1, 1, 1]} : vector<128x32x32xf32> to vector<128x1x32xf32>
      %squeeze3A_404 = vector.shape_cast %slice3A_403 : vector<128x1x32xf32> to vector<128x32xf32>
      %sub3A_405 = arith.subf %squeeze3A_404, %mul3A_249 : vector<128x32xf32>
      %slice3A_406 = vector.extract_strided_slice %mul3A {offsets = [0, 6, 0], sizes = [128, 1, 32], strides = [1, 1, 1]} : vector<128x32x32xf32> to vector<128x1x32xf32>
      %squeeze3A_407 = vector.shape_cast %slice3A_406 : vector<128x1x32xf32> to vector<128x32xf32>
      %div3A_408 = arith.divf %squeeze3A_407, %select_n3A_402 : vector<128x32xf32>
      %sub3A_409 = arith.subf %sub3A_405, %div3A_408 : vector<128x32xf32>
      %lt3A_410 = arith.constant 0.000000e+00 : f32
      %lt3A_411 = vector.broadcast %lt3A_410 : f32 to vector<128x32xf32>
      %lt3A_412 = arith.cmpf olt, %sub3A_409, %lt3A_411 : vector<128x32xf32>
      %jit3A_413 = arith.constant 1.000000e+00 : f32
      %jit3A_414 = arith.constant 0.000000e+00 : f32
      %broadcast_in_dim3A_415 = vector.broadcast %jit3A_413 : f32 to vector<128x32xf32>
      %broadcast_in_dim3A_416 = vector.broadcast %jit3A_414 : f32 to vector<128x32xf32>
      %select_n3A_417 = arith.select %lt3A_412, %broadcast_in_dim3A_415, %broadcast_in_dim3A_416 : vector<128x32xi1>, vector<128x32xf32>
      %add3A_418 = arith.addf %add3A_395, %select_n3A_417 : vector<128x32xf32>
      %abs3A_419 = math.absf %sub3A_409 : vector<128x32xf32>
      %lt3A_420 = arith.constant 9.99999993E-9 : f32
      %lt3A_421 = vector.broadcast %lt3A_420 : f32 to vector<128x32xf32>
      %lt3A_422 = arith.cmpf olt, %abs3A_419, %lt3A_421 : vector<128x32xf32>
      %jit3A_423 = arith.constant -9.99999993E-9 : f32
      %broadcast_in_dim3A_424 = vector.broadcast %jit3A_423 : f32 to vector<128x32xf32>
      %select_n3A_425 = arith.select %lt3A_422, %broadcast_in_dim3A_424, %sub3A_409 : vector<128x32xi1>, vector<128x32xf32>
      %slice3A_426 = vector.extract_strided_slice %add3A_89 {offsets = [0, 8, 0], sizes = [128, 1, 32], strides = [1, 1, 1]} : vector<128x32x32xf32> to vector<128x1x32xf32>
      %squeeze3A_427 = vector.shape_cast %slice3A_426 : vector<128x1x32xf32> to vector<128x32xf32>
      %sub3A_428 = arith.subf %squeeze3A_427, %mul3A_249 : vector<128x32xf32>
      %slice3A_429 = vector.extract_strided_slice %mul3A {offsets = [0, 7, 0], sizes = [128, 1, 32], strides = [1, 1, 1]} : vector<128x32x32xf32> to vector<128x1x32xf32>
      %squeeze3A_430 = vector.shape_cast %slice3A_429 : vector<128x1x32xf32> to vector<128x32xf32>
      %div3A_431 = arith.divf %squeeze3A_430, %select_n3A_425 : vector<128x32xf32>
      %sub3A_432 = arith.subf %sub3A_428, %div3A_431 : vector<128x32xf32>
      %lt3A_433 = arith.constant 0.000000e+00 : f32
      %lt3A_434 = vector.broadcast %lt3A_433 : f32 to vector<128x32xf32>
      %lt3A_435 = arith.cmpf olt, %sub3A_432, %lt3A_434 : vector<128x32xf32>
      %jit3A_436 = arith.constant 1.000000e+00 : f32
      %jit3A_437 = arith.constant 0.000000e+00 : f32
      %broadcast_in_dim3A_438 = vector.broadcast %jit3A_436 : f32 to vector<128x32xf32>
      %broadcast_in_dim3A_439 = vector.broadcast %jit3A_437 : f32 to vector<128x32xf32>
      %select_n3A_440 = arith.select %lt3A_435, %broadcast_in_dim3A_438, %broadcast_in_dim3A_439 : vector<128x32xi1>, vector<128x32xf32>
      %add3A_441 = arith.addf %add3A_418, %select_n3A_440 : vector<128x32xf32>
      %abs3A_442 = math.absf %sub3A_432 : vector<128x32xf32>
      %lt3A_443 = arith.constant 9.99999993E-9 : f32
      %lt3A_444 = vector.broadcast %lt3A_443 : f32 to vector<128x32xf32>
      %lt3A_445 = arith.cmpf olt, %abs3A_442, %lt3A_444 : vector<128x32xf32>
      %jit3A_446 = arith.constant -9.99999993E-9 : f32
      %broadcast_in_dim3A_447 = vector.broadcast %jit3A_446 : f32 to vector<128x32xf32>
      %select_n3A_448 = arith.select %lt3A_445, %broadcast_in_dim3A_447, %sub3A_432 : vector<128x32xi1>, vector<128x32xf32>
      %slice3A_449 = vector.extract_strided_slice %add3A_89 {offsets = [0, 9, 0], sizes = [128, 1, 32], strides = [1, 1, 1]} : vector<128x32x32xf32> to vector<128x1x32xf32>
      %squeeze3A_450 = vector.shape_cast %slice3A_449 : vector<128x1x32xf32> to vector<128x32xf32>
      %sub3A_451 = arith.subf %squeeze3A_450, %mul3A_249 : vector<128x32xf32>
      %slice3A_452 = vector.extract_strided_slice %mul3A {offsets = [0, 8, 0], sizes = [128, 1, 32], strides = [1, 1, 1]} : vector<128x32x32xf32> to vector<128x1x32xf32>
      %squeeze3A_453 = vector.shape_cast %slice3A_452 : vector<128x1x32xf32> to vector<128x32xf32>
      %div3A_454 = arith.divf %squeeze3A_453, %select_n3A_448 : vector<128x32xf32>
      %sub3A_455 = arith.subf %sub3A_451, %div3A_454 : vector<128x32xf32>
      %lt3A_456 = arith.constant 0.000000e+00 : f32
      %lt3A_457 = vector.broadcast %lt3A_456 : f32 to vector<128x32xf32>
      %lt3A_458 = arith.cmpf olt, %sub3A_455, %lt3A_457 : vector<128x32xf32>
      %jit3A_459 = arith.constant 1.000000e+00 : f32
      %jit3A_460 = arith.constant 0.000000e+00 : f32
      %broadcast_in_dim3A_461 = vector.broadcast %jit3A_459 : f32 to vector<128x32xf32>
      %broadcast_in_dim3A_462 = vector.broadcast %jit3A_460 : f32 to vector<128x32xf32>
      %select_n3A_463 = arith.select %lt3A_458, %broadcast_in_dim3A_461, %broadcast_in_dim3A_462 : vector<128x32xi1>, vector<128x32xf32>
      %add3A_464 = arith.addf %add3A_441, %select_n3A_463 : vector<128x32xf32>
      %abs3A_465 = math.absf %sub3A_455 : vector<128x32xf32>
      %lt3A_466 = arith.constant 9.99999993E-9 : f32
      %lt3A_467 = vector.broadcast %lt3A_466 : f32 to vector<128x32xf32>
      %lt3A_468 = arith.cmpf olt, %abs3A_465, %lt3A_467 : vector<128x32xf32>
      %jit3A_469 = arith.constant -9.99999993E-9 : f32
      %broadcast_in_dim3A_470 = vector.broadcast %jit3A_469 : f32 to vector<128x32xf32>
      %select_n3A_471 = arith.select %lt3A_468, %broadcast_in_dim3A_470, %sub3A_455 : vector<128x32xi1>, vector<128x32xf32>
      %slice3A_472 = vector.extract_strided_slice %add3A_89 {offsets = [0, 10, 0], sizes = [128, 1, 32], strides = [1, 1, 1]} : vector<128x32x32xf32> to vector<128x1x32xf32>
      %squeeze3A_473 = vector.shape_cast %slice3A_472 : vector<128x1x32xf32> to vector<128x32xf32>
      %sub3A_474 = arith.subf %squeeze3A_473, %mul3A_249 : vector<128x32xf32>
      %slice3A_475 = vector.extract_strided_slice %mul3A {offsets = [0, 9, 0], sizes = [128, 1, 32], strides = [1, 1, 1]} : vector<128x32x32xf32> to vector<128x1x32xf32>
      %squeeze3A_476 = vector.shape_cast %slice3A_475 : vector<128x1x32xf32> to vector<128x32xf32>
      %div3A_477 = arith.divf %squeeze3A_476, %select_n3A_471 : vector<128x32xf32>
      %sub3A_478 = arith.subf %sub3A_474, %div3A_477 : vector<128x32xf32>
      %lt3A_479 = arith.constant 0.000000e+00 : f32
      %lt3A_480 = vector.broadcast %lt3A_479 : f32 to vector<128x32xf32>
      %lt3A_481 = arith.cmpf olt, %sub3A_478, %lt3A_480 : vector<128x32xf32>
      %jit3A_482 = arith.constant 1.000000e+00 : f32
      %jit3A_483 = arith.constant 0.000000e+00 : f32
      %broadcast_in_dim3A_484 = vector.broadcast %jit3A_482 : f32 to vector<128x32xf32>
      %broadcast_in_dim3A_485 = vector.broadcast %jit3A_483 : f32 to vector<128x32xf32>
      %select_n3A_486 = arith.select %lt3A_481, %broadcast_in_dim3A_484, %broadcast_in_dim3A_485 : vector<128x32xi1>, vector<128x32xf32>
      %add3A_487 = arith.addf %add3A_464, %select_n3A_486 : vector<128x32xf32>
      %abs3A_488 = math.absf %sub3A_478 : vector<128x32xf32>
      %lt3A_489 = arith.constant 9.99999993E-9 : f32
      %lt3A_490 = vector.broadcast %lt3A_489 : f32 to vector<128x32xf32>
      %lt3A_491 = arith.cmpf olt, %abs3A_488, %lt3A_490 : vector<128x32xf32>
      %jit3A_492 = arith.constant -9.99999993E-9 : f32
      %broadcast_in_dim3A_493 = vector.broadcast %jit3A_492 : f32 to vector<128x32xf32>
      %select_n3A_494 = arith.select %lt3A_491, %broadcast_in_dim3A_493, %sub3A_478 : vector<128x32xi1>, vector<128x32xf32>
      %slice3A_495 = vector.extract_strided_slice %add3A_89 {offsets = [0, 11, 0], sizes = [128, 1, 32], strides = [1, 1, 1]} : vector<128x32x32xf32> to vector<128x1x32xf32>
      %squeeze3A_496 = vector.shape_cast %slice3A_495 : vector<128x1x32xf32> to vector<128x32xf32>
      %sub3A_497 = arith.subf %squeeze3A_496, %mul3A_249 : vector<128x32xf32>
      %slice3A_498 = vector.extract_strided_slice %mul3A {offsets = [0, 10, 0], sizes = [128, 1, 32], strides = [1, 1, 1]} : vector<128x32x32xf32> to vector<128x1x32xf32>
      %squeeze3A_499 = vector.shape_cast %slice3A_498 : vector<128x1x32xf32> to vector<128x32xf32>
      %div3A_500 = arith.divf %squeeze3A_499, %select_n3A_494 : vector<128x32xf32>
      %sub3A_501 = arith.subf %sub3A_497, %div3A_500 : vector<128x32xf32>
      %lt3A_502 = arith.constant 0.000000e+00 : f32
      %lt3A_503 = vector.broadcast %lt3A_502 : f32 to vector<128x32xf32>
      %lt3A_504 = arith.cmpf olt, %sub3A_501, %lt3A_503 : vector<128x32xf32>
      %jit3A_505 = arith.constant 1.000000e+00 : f32
      %jit3A_506 = arith.constant 0.000000e+00 : f32
      %broadcast_in_dim3A_507 = vector.broadcast %jit3A_505 : f32 to vector<128x32xf32>
      %broadcast_in_dim3A_508 = vector.broadcast %jit3A_506 : f32 to vector<128x32xf32>
      %select_n3A_509 = arith.select %lt3A_504, %broadcast_in_dim3A_507, %broadcast_in_dim3A_508 : vector<128x32xi1>, vector<128x32xf32>
      %add3A_510 = arith.addf %add3A_487, %select_n3A_509 : vector<128x32xf32>
      %abs3A_511 = math.absf %sub3A_501 : vector<128x32xf32>
      %lt3A_512 = arith.constant 9.99999993E-9 : f32
      %lt3A_513 = vector.broadcast %lt3A_512 : f32 to vector<128x32xf32>
      %lt3A_514 = arith.cmpf olt, %abs3A_511, %lt3A_513 : vector<128x32xf32>
      %jit3A_515 = arith.constant -9.99999993E-9 : f32
      %broadcast_in_dim3A_516 = vector.broadcast %jit3A_515 : f32 to vector<128x32xf32>
      %select_n3A_517 = arith.select %lt3A_514, %broadcast_in_dim3A_516, %sub3A_501 : vector<128x32xi1>, vector<128x32xf32>
      %slice3A_518 = vector.extract_strided_slice %add3A_89 {offsets = [0, 12, 0], sizes = [128, 1, 32], strides = [1, 1, 1]} : vector<128x32x32xf32> to vector<128x1x32xf32>
      %squeeze3A_519 = vector.shape_cast %slice3A_518 : vector<128x1x32xf32> to vector<128x32xf32>
      %sub3A_520 = arith.subf %squeeze3A_519, %mul3A_249 : vector<128x32xf32>
      %slice3A_521 = vector.extract_strided_slice %mul3A {offsets = [0, 11, 0], sizes = [128, 1, 32], strides = [1, 1, 1]} : vector<128x32x32xf32> to vector<128x1x32xf32>
      %squeeze3A_522 = vector.shape_cast %slice3A_521 : vector<128x1x32xf32> to vector<128x32xf32>
      %div3A_523 = arith.divf %squeeze3A_522, %select_n3A_517 : vector<128x32xf32>
      %sub3A_524 = arith.subf %sub3A_520, %div3A_523 : vector<128x32xf32>
      %lt3A_525 = arith.constant 0.000000e+00 : f32
      %lt3A_526 = vector.broadcast %lt3A_525 : f32 to vector<128x32xf32>
      %lt3A_527 = arith.cmpf olt, %sub3A_524, %lt3A_526 : vector<128x32xf32>
      %jit3A_528 = arith.constant 1.000000e+00 : f32
      %jit3A_529 = arith.constant 0.000000e+00 : f32
      %broadcast_in_dim3A_530 = vector.broadcast %jit3A_528 : f32 to vector<128x32xf32>
      %broadcast_in_dim3A_531 = vector.broadcast %jit3A_529 : f32 to vector<128x32xf32>
      %select_n3A_532 = arith.select %lt3A_527, %broadcast_in_dim3A_530, %broadcast_in_dim3A_531 : vector<128x32xi1>, vector<128x32xf32>
      %add3A_533 = arith.addf %add3A_510, %select_n3A_532 : vector<128x32xf32>
      %abs3A_534 = math.absf %sub3A_524 : vector<128x32xf32>
      %lt3A_535 = arith.constant 9.99999993E-9 : f32
      %lt3A_536 = vector.broadcast %lt3A_535 : f32 to vector<128x32xf32>
      %lt3A_537 = arith.cmpf olt, %abs3A_534, %lt3A_536 : vector<128x32xf32>
      %jit3A_538 = arith.constant -9.99999993E-9 : f32
      %broadcast_in_dim3A_539 = vector.broadcast %jit3A_538 : f32 to vector<128x32xf32>
      %select_n3A_540 = arith.select %lt3A_537, %broadcast_in_dim3A_539, %sub3A_524 : vector<128x32xi1>, vector<128x32xf32>
      %slice3A_541 = vector.extract_strided_slice %add3A_89 {offsets = [0, 13, 0], sizes = [128, 1, 32], strides = [1, 1, 1]} : vector<128x32x32xf32> to vector<128x1x32xf32>
      %squeeze3A_542 = vector.shape_cast %slice3A_541 : vector<128x1x32xf32> to vector<128x32xf32>
      %sub3A_543 = arith.subf %squeeze3A_542, %mul3A_249 : vector<128x32xf32>
      %slice3A_544 = vector.extract_strided_slice %mul3A {offsets = [0, 12, 0], sizes = [128, 1, 32], strides = [1, 1, 1]} : vector<128x32x32xf32> to vector<128x1x32xf32>
      %squeeze3A_545 = vector.shape_cast %slice3A_544 : vector<128x1x32xf32> to vector<128x32xf32>
      %div3A_546 = arith.divf %squeeze3A_545, %select_n3A_540 : vector<128x32xf32>
      %sub3A_547 = arith.subf %sub3A_543, %div3A_546 : vector<128x32xf32>
      %lt3A_548 = arith.constant 0.000000e+00 : f32
      %lt3A_549 = vector.broadcast %lt3A_548 : f32 to vector<128x32xf32>
      %lt3A_550 = arith.cmpf olt, %sub3A_547, %lt3A_549 : vector<128x32xf32>
      %jit3A_551 = arith.constant 1.000000e+00 : f32
      %jit3A_552 = arith.constant 0.000000e+00 : f32
      %broadcast_in_dim3A_553 = vector.broadcast %jit3A_551 : f32 to vector<128x32xf32>
      %broadcast_in_dim3A_554 = vector.broadcast %jit3A_552 : f32 to vector<128x32xf32>
      %select_n3A_555 = arith.select %lt3A_550, %broadcast_in_dim3A_553, %broadcast_in_dim3A_554 : vector<128x32xi1>, vector<128x32xf32>
      %add3A_556 = arith.addf %add3A_533, %select_n3A_555 : vector<128x32xf32>
      %abs3A_557 = math.absf %sub3A_547 : vector<128x32xf32>
      %lt3A_558 = arith.constant 9.99999993E-9 : f32
      %lt3A_559 = vector.broadcast %lt3A_558 : f32 to vector<128x32xf32>
      %lt3A_560 = arith.cmpf olt, %abs3A_557, %lt3A_559 : vector<128x32xf32>
      %jit3A_561 = arith.constant -9.99999993E-9 : f32
      %broadcast_in_dim3A_562 = vector.broadcast %jit3A_561 : f32 to vector<128x32xf32>
      %select_n3A_563 = arith.select %lt3A_560, %broadcast_in_dim3A_562, %sub3A_547 : vector<128x32xi1>, vector<128x32xf32>
      %slice3A_564 = vector.extract_strided_slice %add3A_89 {offsets = [0, 14, 0], sizes = [128, 1, 32], strides = [1, 1, 1]} : vector<128x32x32xf32> to vector<128x1x32xf32>
      %squeeze3A_565 = vector.shape_cast %slice3A_564 : vector<128x1x32xf32> to vector<128x32xf32>
      %sub3A_566 = arith.subf %squeeze3A_565, %mul3A_249 : vector<128x32xf32>
      %slice3A_567 = vector.extract_strided_slice %mul3A {offsets = [0, 13, 0], sizes = [128, 1, 32], strides = [1, 1, 1]} : vector<128x32x32xf32> to vector<128x1x32xf32>
      %squeeze3A_568 = vector.shape_cast %slice3A_567 : vector<128x1x32xf32> to vector<128x32xf32>
      %div3A_569 = arith.divf %squeeze3A_568, %select_n3A_563 : vector<128x32xf32>
      %sub3A_570 = arith.subf %sub3A_566, %div3A_569 : vector<128x32xf32>
      %lt3A_571 = arith.constant 0.000000e+00 : f32
      %lt3A_572 = vector.broadcast %lt3A_571 : f32 to vector<128x32xf32>
      %lt3A_573 = arith.cmpf olt, %sub3A_570, %lt3A_572 : vector<128x32xf32>
      %jit3A_574 = arith.constant 1.000000e+00 : f32
      %jit3A_575 = arith.constant 0.000000e+00 : f32
      %broadcast_in_dim3A_576 = vector.broadcast %jit3A_574 : f32 to vector<128x32xf32>
      %broadcast_in_dim3A_577 = vector.broadcast %jit3A_575 : f32 to vector<128x32xf32>
      %select_n3A_578 = arith.select %lt3A_573, %broadcast_in_dim3A_576, %broadcast_in_dim3A_577 : vector<128x32xi1>, vector<128x32xf32>
      %add3A_579 = arith.addf %add3A_556, %select_n3A_578 : vector<128x32xf32>
      %abs3A_580 = math.absf %sub3A_570 : vector<128x32xf32>
      %lt3A_581 = arith.constant 9.99999993E-9 : f32
      %lt3A_582 = vector.broadcast %lt3A_581 : f32 to vector<128x32xf32>
      %lt3A_583 = arith.cmpf olt, %abs3A_580, %lt3A_582 : vector<128x32xf32>
      %jit3A_584 = arith.constant -9.99999993E-9 : f32
      %broadcast_in_dim3A_585 = vector.broadcast %jit3A_584 : f32 to vector<128x32xf32>
      %select_n3A_586 = arith.select %lt3A_583, %broadcast_in_dim3A_585, %sub3A_570 : vector<128x32xi1>, vector<128x32xf32>
      %slice3A_587 = vector.extract_strided_slice %add3A_89 {offsets = [0, 15, 0], sizes = [128, 1, 32], strides = [1, 1, 1]} : vector<128x32x32xf32> to vector<128x1x32xf32>
      %squeeze3A_588 = vector.shape_cast %slice3A_587 : vector<128x1x32xf32> to vector<128x32xf32>
      %sub3A_589 = arith.subf %squeeze3A_588, %mul3A_249 : vector<128x32xf32>
      %slice3A_590 = vector.extract_strided_slice %mul3A {offsets = [0, 14, 0], sizes = [128, 1, 32], strides = [1, 1, 1]} : vector<128x32x32xf32> to vector<128x1x32xf32>
      %squeeze3A_591 = vector.shape_cast %slice3A_590 : vector<128x1x32xf32> to vector<128x32xf32>
      %div3A_592 = arith.divf %squeeze3A_591, %select_n3A_586 : vector<128x32xf32>
      %sub3A_593 = arith.subf %sub3A_589, %div3A_592 : vector<128x32xf32>
      %lt3A_594 = arith.constant 0.000000e+00 : f32
      %lt3A_595 = vector.broadcast %lt3A_594 : f32 to vector<128x32xf32>
      %lt3A_596 = arith.cmpf olt, %sub3A_593, %lt3A_595 : vector<128x32xf32>
      %jit3A_597 = arith.constant 1.000000e+00 : f32
      %jit3A_598 = arith.constant 0.000000e+00 : f32
      %broadcast_in_dim3A_599 = vector.broadcast %jit3A_597 : f32 to vector<128x32xf32>
      %broadcast_in_dim3A_600 = vector.broadcast %jit3A_598 : f32 to vector<128x32xf32>
      %select_n3A_601 = arith.select %lt3A_596, %broadcast_in_dim3A_599, %broadcast_in_dim3A_600 : vector<128x32xi1>, vector<128x32xf32>
      %add3A_602 = arith.addf %add3A_579, %select_n3A_601 : vector<128x32xf32>
      %abs3A_603 = math.absf %sub3A_593 : vector<128x32xf32>
      %lt3A_604 = arith.constant 9.99999993E-9 : f32
      %lt3A_605 = vector.broadcast %lt3A_604 : f32 to vector<128x32xf32>
      %lt3A_606 = arith.cmpf olt, %abs3A_603, %lt3A_605 : vector<128x32xf32>
      %jit3A_607 = arith.constant -9.99999993E-9 : f32
      %broadcast_in_dim3A_608 = vector.broadcast %jit3A_607 : f32 to vector<128x32xf32>
      %select_n3A_609 = arith.select %lt3A_606, %broadcast_in_dim3A_608, %sub3A_593 : vector<128x32xi1>, vector<128x32xf32>
      %slice3A_610 = vector.extract_strided_slice %add3A_89 {offsets = [0, 16, 0], sizes = [128, 1, 32], strides = [1, 1, 1]} : vector<128x32x32xf32> to vector<128x1x32xf32>
      %squeeze3A_611 = vector.shape_cast %slice3A_610 : vector<128x1x32xf32> to vector<128x32xf32>
      %sub3A_612 = arith.subf %squeeze3A_611, %mul3A_249 : vector<128x32xf32>
      %slice3A_613 = vector.extract_strided_slice %mul3A {offsets = [0, 15, 0], sizes = [128, 1, 32], strides = [1, 1, 1]} : vector<128x32x32xf32> to vector<128x1x32xf32>
      %squeeze3A_614 = vector.shape_cast %slice3A_613 : vector<128x1x32xf32> to vector<128x32xf32>
      %div3A_615 = arith.divf %squeeze3A_614, %select_n3A_609 : vector<128x32xf32>
      %sub3A_616 = arith.subf %sub3A_612, %div3A_615 : vector<128x32xf32>
      %lt3A_617 = arith.constant 0.000000e+00 : f32
      %lt3A_618 = vector.broadcast %lt3A_617 : f32 to vector<128x32xf32>
      %lt3A_619 = arith.cmpf olt, %sub3A_616, %lt3A_618 : vector<128x32xf32>
      %jit3A_620 = arith.constant 1.000000e+00 : f32
      %jit3A_621 = arith.constant 0.000000e+00 : f32
      %broadcast_in_dim3A_622 = vector.broadcast %jit3A_620 : f32 to vector<128x32xf32>
      %broadcast_in_dim3A_623 = vector.broadcast %jit3A_621 : f32 to vector<128x32xf32>
      %select_n3A_624 = arith.select %lt3A_619, %broadcast_in_dim3A_622, %broadcast_in_dim3A_623 : vector<128x32xi1>, vector<128x32xf32>
      %add3A_625 = arith.addf %add3A_602, %select_n3A_624 : vector<128x32xf32>
      %abs3A_626 = math.absf %sub3A_616 : vector<128x32xf32>
      %lt3A_627 = arith.constant 9.99999993E-9 : f32
      %lt3A_628 = vector.broadcast %lt3A_627 : f32 to vector<128x32xf32>
      %lt3A_629 = arith.cmpf olt, %abs3A_626, %lt3A_628 : vector<128x32xf32>
      %jit3A_630 = arith.constant -9.99999993E-9 : f32
      %broadcast_in_dim3A_631 = vector.broadcast %jit3A_630 : f32 to vector<128x32xf32>
      %select_n3A_632 = arith.select %lt3A_629, %broadcast_in_dim3A_631, %sub3A_616 : vector<128x32xi1>, vector<128x32xf32>
      %slice3A_633 = vector.extract_strided_slice %add3A_89 {offsets = [0, 17, 0], sizes = [128, 1, 32], strides = [1, 1, 1]} : vector<128x32x32xf32> to vector<128x1x32xf32>
      %squeeze3A_634 = vector.shape_cast %slice3A_633 : vector<128x1x32xf32> to vector<128x32xf32>
      %sub3A_635 = arith.subf %squeeze3A_634, %mul3A_249 : vector<128x32xf32>
      %slice3A_636 = vector.extract_strided_slice %mul3A {offsets = [0, 16, 0], sizes = [128, 1, 32], strides = [1, 1, 1]} : vector<128x32x32xf32> to vector<128x1x32xf32>
      %squeeze3A_637 = vector.shape_cast %slice3A_636 : vector<128x1x32xf32> to vector<128x32xf32>
      %div3A_638 = arith.divf %squeeze3A_637, %select_n3A_632 : vector<128x32xf32>
      %sub3A_639 = arith.subf %sub3A_635, %div3A_638 : vector<128x32xf32>
      %lt3A_640 = arith.constant 0.000000e+00 : f32
      %lt3A_641 = vector.broadcast %lt3A_640 : f32 to vector<128x32xf32>
      %lt3A_642 = arith.cmpf olt, %sub3A_639, %lt3A_641 : vector<128x32xf32>
      %jit3A_643 = arith.constant 1.000000e+00 : f32
      %jit3A_644 = arith.constant 0.000000e+00 : f32
      %broadcast_in_dim3A_645 = vector.broadcast %jit3A_643 : f32 to vector<128x32xf32>
      %broadcast_in_dim3A_646 = vector.broadcast %jit3A_644 : f32 to vector<128x32xf32>
      %select_n3A_647 = arith.select %lt3A_642, %broadcast_in_dim3A_645, %broadcast_in_dim3A_646 : vector<128x32xi1>, vector<128x32xf32>
      %add3A_648 = arith.addf %add3A_625, %select_n3A_647 : vector<128x32xf32>
      %abs3A_649 = math.absf %sub3A_639 : vector<128x32xf32>
      %lt3A_650 = arith.constant 9.99999993E-9 : f32
      %lt3A_651 = vector.broadcast %lt3A_650 : f32 to vector<128x32xf32>
      %lt3A_652 = arith.cmpf olt, %abs3A_649, %lt3A_651 : vector<128x32xf32>
      %jit3A_653 = arith.constant -9.99999993E-9 : f32
      %broadcast_in_dim3A_654 = vector.broadcast %jit3A_653 : f32 to vector<128x32xf32>
      %select_n3A_655 = arith.select %lt3A_652, %broadcast_in_dim3A_654, %sub3A_639 : vector<128x32xi1>, vector<128x32xf32>
      %slice3A_656 = vector.extract_strided_slice %add3A_89 {offsets = [0, 18, 0], sizes = [128, 1, 32], strides = [1, 1, 1]} : vector<128x32x32xf32> to vector<128x1x32xf32>
      %squeeze3A_657 = vector.shape_cast %slice3A_656 : vector<128x1x32xf32> to vector<128x32xf32>
      %sub3A_658 = arith.subf %squeeze3A_657, %mul3A_249 : vector<128x32xf32>
      %slice3A_659 = vector.extract_strided_slice %mul3A {offsets = [0, 17, 0], sizes = [128, 1, 32], strides = [1, 1, 1]} : vector<128x32x32xf32> to vector<128x1x32xf32>
      %squeeze3A_660 = vector.shape_cast %slice3A_659 : vector<128x1x32xf32> to vector<128x32xf32>
      %div3A_661 = arith.divf %squeeze3A_660, %select_n3A_655 : vector<128x32xf32>
      %sub3A_662 = arith.subf %sub3A_658, %div3A_661 : vector<128x32xf32>
      %lt3A_663 = arith.constant 0.000000e+00 : f32
      %lt3A_664 = vector.broadcast %lt3A_663 : f32 to vector<128x32xf32>
      %lt3A_665 = arith.cmpf olt, %sub3A_662, %lt3A_664 : vector<128x32xf32>
      %jit3A_666 = arith.constant 1.000000e+00 : f32
      %jit3A_667 = arith.constant 0.000000e+00 : f32
      %broadcast_in_dim3A_668 = vector.broadcast %jit3A_666 : f32 to vector<128x32xf32>
      %broadcast_in_dim3A_669 = vector.broadcast %jit3A_667 : f32 to vector<128x32xf32>
      %select_n3A_670 = arith.select %lt3A_665, %broadcast_in_dim3A_668, %broadcast_in_dim3A_669 : vector<128x32xi1>, vector<128x32xf32>
      %add3A_671 = arith.addf %add3A_648, %select_n3A_670 : vector<128x32xf32>
      %abs3A_672 = math.absf %sub3A_662 : vector<128x32xf32>
      %lt3A_673 = arith.constant 9.99999993E-9 : f32
      %lt3A_674 = vector.broadcast %lt3A_673 : f32 to vector<128x32xf32>
      %lt3A_675 = arith.cmpf olt, %abs3A_672, %lt3A_674 : vector<128x32xf32>
      %jit3A_676 = arith.constant -9.99999993E-9 : f32
      %broadcast_in_dim3A_677 = vector.broadcast %jit3A_676 : f32 to vector<128x32xf32>
      %select_n3A_678 = arith.select %lt3A_675, %broadcast_in_dim3A_677, %sub3A_662 : vector<128x32xi1>, vector<128x32xf32>
      %slice3A_679 = vector.extract_strided_slice %add3A_89 {offsets = [0, 19, 0], sizes = [128, 1, 32], strides = [1, 1, 1]} : vector<128x32x32xf32> to vector<128x1x32xf32>
      %squeeze3A_680 = vector.shape_cast %slice3A_679 : vector<128x1x32xf32> to vector<128x32xf32>
      %sub3A_681 = arith.subf %squeeze3A_680, %mul3A_249 : vector<128x32xf32>
      %slice3A_682 = vector.extract_strided_slice %mul3A {offsets = [0, 18, 0], sizes = [128, 1, 32], strides = [1, 1, 1]} : vector<128x32x32xf32> to vector<128x1x32xf32>
      %squeeze3A_683 = vector.shape_cast %slice3A_682 : vector<128x1x32xf32> to vector<128x32xf32>
      %div3A_684 = arith.divf %squeeze3A_683, %select_n3A_678 : vector<128x32xf32>
      %sub3A_685 = arith.subf %sub3A_681, %div3A_684 : vector<128x32xf32>
      %lt3A_686 = arith.constant 0.000000e+00 : f32
      %lt3A_687 = vector.broadcast %lt3A_686 : f32 to vector<128x32xf32>
      %lt3A_688 = arith.cmpf olt, %sub3A_685, %lt3A_687 : vector<128x32xf32>
      %jit3A_689 = arith.constant 1.000000e+00 : f32
      %jit3A_690 = arith.constant 0.000000e+00 : f32
      %broadcast_in_dim3A_691 = vector.broadcast %jit3A_689 : f32 to vector<128x32xf32>
      %broadcast_in_dim3A_692 = vector.broadcast %jit3A_690 : f32 to vector<128x32xf32>
      %select_n3A_693 = arith.select %lt3A_688, %broadcast_in_dim3A_691, %broadcast_in_dim3A_692 : vector<128x32xi1>, vector<128x32xf32>
      %add3A_694 = arith.addf %add3A_671, %select_n3A_693 : vector<128x32xf32>
      %abs3A_695 = math.absf %sub3A_685 : vector<128x32xf32>
      %lt3A_696 = arith.constant 9.99999993E-9 : f32
      %lt3A_697 = vector.broadcast %lt3A_696 : f32 to vector<128x32xf32>
      %lt3A_698 = arith.cmpf olt, %abs3A_695, %lt3A_697 : vector<128x32xf32>
      %jit3A_699 = arith.constant -9.99999993E-9 : f32
      %broadcast_in_dim3A_700 = vector.broadcast %jit3A_699 : f32 to vector<128x32xf32>
      %select_n3A_701 = arith.select %lt3A_698, %broadcast_in_dim3A_700, %sub3A_685 : vector<128x32xi1>, vector<128x32xf32>
      %slice3A_702 = vector.extract_strided_slice %add3A_89 {offsets = [0, 20, 0], sizes = [128, 1, 32], strides = [1, 1, 1]} : vector<128x32x32xf32> to vector<128x1x32xf32>
      %squeeze3A_703 = vector.shape_cast %slice3A_702 : vector<128x1x32xf32> to vector<128x32xf32>
      %sub3A_704 = arith.subf %squeeze3A_703, %mul3A_249 : vector<128x32xf32>
      %slice3A_705 = vector.extract_strided_slice %mul3A {offsets = [0, 19, 0], sizes = [128, 1, 32], strides = [1, 1, 1]} : vector<128x32x32xf32> to vector<128x1x32xf32>
      %squeeze3A_706 = vector.shape_cast %slice3A_705 : vector<128x1x32xf32> to vector<128x32xf32>
      %div3A_707 = arith.divf %squeeze3A_706, %select_n3A_701 : vector<128x32xf32>
      %sub3A_708 = arith.subf %sub3A_704, %div3A_707 : vector<128x32xf32>
      %lt3A_709 = arith.constant 0.000000e+00 : f32
      %lt3A_710 = vector.broadcast %lt3A_709 : f32 to vector<128x32xf32>
      %lt3A_711 = arith.cmpf olt, %sub3A_708, %lt3A_710 : vector<128x32xf32>
      %jit3A_712 = arith.constant 1.000000e+00 : f32
      %jit3A_713 = arith.constant 0.000000e+00 : f32
      %broadcast_in_dim3A_714 = vector.broadcast %jit3A_712 : f32 to vector<128x32xf32>
      %broadcast_in_dim3A_715 = vector.broadcast %jit3A_713 : f32 to vector<128x32xf32>
      %select_n3A_716 = arith.select %lt3A_711, %broadcast_in_dim3A_714, %broadcast_in_dim3A_715 : vector<128x32xi1>, vector<128x32xf32>
      %add3A_717 = arith.addf %add3A_694, %select_n3A_716 : vector<128x32xf32>
      %abs3A_718 = math.absf %sub3A_708 : vector<128x32xf32>
      %lt3A_719 = arith.constant 9.99999993E-9 : f32
      %lt3A_720 = vector.broadcast %lt3A_719 : f32 to vector<128x32xf32>
      %lt3A_721 = arith.cmpf olt, %abs3A_718, %lt3A_720 : vector<128x32xf32>
      %jit3A_722 = arith.constant -9.99999993E-9 : f32
      %broadcast_in_dim3A_723 = vector.broadcast %jit3A_722 : f32 to vector<128x32xf32>
      %select_n3A_724 = arith.select %lt3A_721, %broadcast_in_dim3A_723, %sub3A_708 : vector<128x32xi1>, vector<128x32xf32>
      %slice3A_725 = vector.extract_strided_slice %add3A_89 {offsets = [0, 21, 0], sizes = [128, 1, 32], strides = [1, 1, 1]} : vector<128x32x32xf32> to vector<128x1x32xf32>
      %squeeze3A_726 = vector.shape_cast %slice3A_725 : vector<128x1x32xf32> to vector<128x32xf32>
      %sub3A_727 = arith.subf %squeeze3A_726, %mul3A_249 : vector<128x32xf32>
      %slice3A_728 = vector.extract_strided_slice %mul3A {offsets = [0, 20, 0], sizes = [128, 1, 32], strides = [1, 1, 1]} : vector<128x32x32xf32> to vector<128x1x32xf32>
      %squeeze3A_729 = vector.shape_cast %slice3A_728 : vector<128x1x32xf32> to vector<128x32xf32>
      %div3A_730 = arith.divf %squeeze3A_729, %select_n3A_724 : vector<128x32xf32>
      %sub3A_731 = arith.subf %sub3A_727, %div3A_730 : vector<128x32xf32>
      %lt3A_732 = arith.constant 0.000000e+00 : f32
      %lt3A_733 = vector.broadcast %lt3A_732 : f32 to vector<128x32xf32>
      %lt3A_734 = arith.cmpf olt, %sub3A_731, %lt3A_733 : vector<128x32xf32>
      %jit3A_735 = arith.constant 1.000000e+00 : f32
      %jit3A_736 = arith.constant 0.000000e+00 : f32
      %broadcast_in_dim3A_737 = vector.broadcast %jit3A_735 : f32 to vector<128x32xf32>
      %broadcast_in_dim3A_738 = vector.broadcast %jit3A_736 : f32 to vector<128x32xf32>
      %select_n3A_739 = arith.select %lt3A_734, %broadcast_in_dim3A_737, %broadcast_in_dim3A_738 : vector<128x32xi1>, vector<128x32xf32>
      %add3A_740 = arith.addf %add3A_717, %select_n3A_739 : vector<128x32xf32>
      %abs3A_741 = math.absf %sub3A_731 : vector<128x32xf32>
      %lt3A_742 = arith.constant 9.99999993E-9 : f32
      %lt3A_743 = vector.broadcast %lt3A_742 : f32 to vector<128x32xf32>
      %lt3A_744 = arith.cmpf olt, %abs3A_741, %lt3A_743 : vector<128x32xf32>
      %jit3A_745 = arith.constant -9.99999993E-9 : f32
      %broadcast_in_dim3A_746 = vector.broadcast %jit3A_745 : f32 to vector<128x32xf32>
      %select_n3A_747 = arith.select %lt3A_744, %broadcast_in_dim3A_746, %sub3A_731 : vector<128x32xi1>, vector<128x32xf32>
      %slice3A_748 = vector.extract_strided_slice %add3A_89 {offsets = [0, 22, 0], sizes = [128, 1, 32], strides = [1, 1, 1]} : vector<128x32x32xf32> to vector<128x1x32xf32>
      %squeeze3A_749 = vector.shape_cast %slice3A_748 : vector<128x1x32xf32> to vector<128x32xf32>
      %sub3A_750 = arith.subf %squeeze3A_749, %mul3A_249 : vector<128x32xf32>
      %slice3A_751 = vector.extract_strided_slice %mul3A {offsets = [0, 21, 0], sizes = [128, 1, 32], strides = [1, 1, 1]} : vector<128x32x32xf32> to vector<128x1x32xf32>
      %squeeze3A_752 = vector.shape_cast %slice3A_751 : vector<128x1x32xf32> to vector<128x32xf32>
      %div3A_753 = arith.divf %squeeze3A_752, %select_n3A_747 : vector<128x32xf32>
      %sub3A_754 = arith.subf %sub3A_750, %div3A_753 : vector<128x32xf32>
      %lt3A_755 = arith.constant 0.000000e+00 : f32
      %lt3A_756 = vector.broadcast %lt3A_755 : f32 to vector<128x32xf32>
      %lt3A_757 = arith.cmpf olt, %sub3A_754, %lt3A_756 : vector<128x32xf32>
      %jit3A_758 = arith.constant 1.000000e+00 : f32
      %jit3A_759 = arith.constant 0.000000e+00 : f32
      %broadcast_in_dim3A_760 = vector.broadcast %jit3A_758 : f32 to vector<128x32xf32>
      %broadcast_in_dim3A_761 = vector.broadcast %jit3A_759 : f32 to vector<128x32xf32>
      %select_n3A_762 = arith.select %lt3A_757, %broadcast_in_dim3A_760, %broadcast_in_dim3A_761 : vector<128x32xi1>, vector<128x32xf32>
      %add3A_763 = arith.addf %add3A_740, %select_n3A_762 : vector<128x32xf32>
      %abs3A_764 = math.absf %sub3A_754 : vector<128x32xf32>
      %lt3A_765 = arith.constant 9.99999993E-9 : f32
      %lt3A_766 = vector.broadcast %lt3A_765 : f32 to vector<128x32xf32>
      %lt3A_767 = arith.cmpf olt, %abs3A_764, %lt3A_766 : vector<128x32xf32>
      %jit3A_768 = arith.constant -9.99999993E-9 : f32
      %broadcast_in_dim3A_769 = vector.broadcast %jit3A_768 : f32 to vector<128x32xf32>
      %select_n3A_770 = arith.select %lt3A_767, %broadcast_in_dim3A_769, %sub3A_754 : vector<128x32xi1>, vector<128x32xf32>
      %slice3A_771 = vector.extract_strided_slice %add3A_89 {offsets = [0, 23, 0], sizes = [128, 1, 32], strides = [1, 1, 1]} : vector<128x32x32xf32> to vector<128x1x32xf32>
      %squeeze3A_772 = vector.shape_cast %slice3A_771 : vector<128x1x32xf32> to vector<128x32xf32>
      %sub3A_773 = arith.subf %squeeze3A_772, %mul3A_249 : vector<128x32xf32>
      %slice3A_774 = vector.extract_strided_slice %mul3A {offsets = [0, 22, 0], sizes = [128, 1, 32], strides = [1, 1, 1]} : vector<128x32x32xf32> to vector<128x1x32xf32>
      %squeeze3A_775 = vector.shape_cast %slice3A_774 : vector<128x1x32xf32> to vector<128x32xf32>
      %div3A_776 = arith.divf %squeeze3A_775, %select_n3A_770 : vector<128x32xf32>
      %sub3A_777 = arith.subf %sub3A_773, %div3A_776 : vector<128x32xf32>
      %lt3A_778 = arith.constant 0.000000e+00 : f32
      %lt3A_779 = vector.broadcast %lt3A_778 : f32 to vector<128x32xf32>
      %lt3A_780 = arith.cmpf olt, %sub3A_777, %lt3A_779 : vector<128x32xf32>
      %jit3A_781 = arith.constant 1.000000e+00 : f32
      %jit3A_782 = arith.constant 0.000000e+00 : f32
      %broadcast_in_dim3A_783 = vector.broadcast %jit3A_781 : f32 to vector<128x32xf32>
      %broadcast_in_dim3A_784 = vector.broadcast %jit3A_782 : f32 to vector<128x32xf32>
      %select_n3A_785 = arith.select %lt3A_780, %broadcast_in_dim3A_783, %broadcast_in_dim3A_784 : vector<128x32xi1>, vector<128x32xf32>
      %add3A_786 = arith.addf %add3A_763, %select_n3A_785 : vector<128x32xf32>
      %abs3A_787 = math.absf %sub3A_777 : vector<128x32xf32>
      %lt3A_788 = arith.constant 9.99999993E-9 : f32
      %lt3A_789 = vector.broadcast %lt3A_788 : f32 to vector<128x32xf32>
      %lt3A_790 = arith.cmpf olt, %abs3A_787, %lt3A_789 : vector<128x32xf32>
      %jit3A_791 = arith.constant -9.99999993E-9 : f32
      %broadcast_in_dim3A_792 = vector.broadcast %jit3A_791 : f32 to vector<128x32xf32>
      %select_n3A_793 = arith.select %lt3A_790, %broadcast_in_dim3A_792, %sub3A_777 : vector<128x32xi1>, vector<128x32xf32>
      %slice3A_794 = vector.extract_strided_slice %add3A_89 {offsets = [0, 24, 0], sizes = [128, 1, 32], strides = [1, 1, 1]} : vector<128x32x32xf32> to vector<128x1x32xf32>
      %squeeze3A_795 = vector.shape_cast %slice3A_794 : vector<128x1x32xf32> to vector<128x32xf32>
      %sub3A_796 = arith.subf %squeeze3A_795, %mul3A_249 : vector<128x32xf32>
      %slice3A_797 = vector.extract_strided_slice %mul3A {offsets = [0, 23, 0], sizes = [128, 1, 32], strides = [1, 1, 1]} : vector<128x32x32xf32> to vector<128x1x32xf32>
      %squeeze3A_798 = vector.shape_cast %slice3A_797 : vector<128x1x32xf32> to vector<128x32xf32>
      %div3A_799 = arith.divf %squeeze3A_798, %select_n3A_793 : vector<128x32xf32>
      %sub3A_800 = arith.subf %sub3A_796, %div3A_799 : vector<128x32xf32>
      %lt3A_801 = arith.constant 0.000000e+00 : f32
      %lt3A_802 = vector.broadcast %lt3A_801 : f32 to vector<128x32xf32>
      %lt3A_803 = arith.cmpf olt, %sub3A_800, %lt3A_802 : vector<128x32xf32>
      %jit3A_804 = arith.constant 1.000000e+00 : f32
      %jit3A_805 = arith.constant 0.000000e+00 : f32
      %broadcast_in_dim3A_806 = vector.broadcast %jit3A_804 : f32 to vector<128x32xf32>
      %broadcast_in_dim3A_807 = vector.broadcast %jit3A_805 : f32 to vector<128x32xf32>
      %select_n3A_808 = arith.select %lt3A_803, %broadcast_in_dim3A_806, %broadcast_in_dim3A_807 : vector<128x32xi1>, vector<128x32xf32>
      %add3A_809 = arith.addf %add3A_786, %select_n3A_808 : vector<128x32xf32>
      %abs3A_810 = math.absf %sub3A_800 : vector<128x32xf32>
      %lt3A_811 = arith.constant 9.99999993E-9 : f32
      %lt3A_812 = vector.broadcast %lt3A_811 : f32 to vector<128x32xf32>
      %lt3A_813 = arith.cmpf olt, %abs3A_810, %lt3A_812 : vector<128x32xf32>
      %jit3A_814 = arith.constant -9.99999993E-9 : f32
      %broadcast_in_dim3A_815 = vector.broadcast %jit3A_814 : f32 to vector<128x32xf32>
      %select_n3A_816 = arith.select %lt3A_813, %broadcast_in_dim3A_815, %sub3A_800 : vector<128x32xi1>, vector<128x32xf32>
      %slice3A_817 = vector.extract_strided_slice %add3A_89 {offsets = [0, 25, 0], sizes = [128, 1, 32], strides = [1, 1, 1]} : vector<128x32x32xf32> to vector<128x1x32xf32>
      %squeeze3A_818 = vector.shape_cast %slice3A_817 : vector<128x1x32xf32> to vector<128x32xf32>
      %sub3A_819 = arith.subf %squeeze3A_818, %mul3A_249 : vector<128x32xf32>
      %slice3A_820 = vector.extract_strided_slice %mul3A {offsets = [0, 24, 0], sizes = [128, 1, 32], strides = [1, 1, 1]} : vector<128x32x32xf32> to vector<128x1x32xf32>
      %squeeze3A_821 = vector.shape_cast %slice3A_820 : vector<128x1x32xf32> to vector<128x32xf32>
      %div3A_822 = arith.divf %squeeze3A_821, %select_n3A_816 : vector<128x32xf32>
      %sub3A_823 = arith.subf %sub3A_819, %div3A_822 : vector<128x32xf32>
      %lt3A_824 = arith.constant 0.000000e+00 : f32
      %lt3A_825 = vector.broadcast %lt3A_824 : f32 to vector<128x32xf32>
      %lt3A_826 = arith.cmpf olt, %sub3A_823, %lt3A_825 : vector<128x32xf32>
      %jit3A_827 = arith.constant 1.000000e+00 : f32
      %jit3A_828 = arith.constant 0.000000e+00 : f32
      %broadcast_in_dim3A_829 = vector.broadcast %jit3A_827 : f32 to vector<128x32xf32>
      %broadcast_in_dim3A_830 = vector.broadcast %jit3A_828 : f32 to vector<128x32xf32>
      %select_n3A_831 = arith.select %lt3A_826, %broadcast_in_dim3A_829, %broadcast_in_dim3A_830 : vector<128x32xi1>, vector<128x32xf32>
      %add3A_832 = arith.addf %add3A_809, %select_n3A_831 : vector<128x32xf32>
      %abs3A_833 = math.absf %sub3A_823 : vector<128x32xf32>
      %lt3A_834 = arith.constant 9.99999993E-9 : f32
      %lt3A_835 = vector.broadcast %lt3A_834 : f32 to vector<128x32xf32>
      %lt3A_836 = arith.cmpf olt, %abs3A_833, %lt3A_835 : vector<128x32xf32>
      %jit3A_837 = arith.constant -9.99999993E-9 : f32
      %broadcast_in_dim3A_838 = vector.broadcast %jit3A_837 : f32 to vector<128x32xf32>
      %select_n3A_839 = arith.select %lt3A_836, %broadcast_in_dim3A_838, %sub3A_823 : vector<128x32xi1>, vector<128x32xf32>
      %slice3A_840 = vector.extract_strided_slice %add3A_89 {offsets = [0, 26, 0], sizes = [128, 1, 32], strides = [1, 1, 1]} : vector<128x32x32xf32> to vector<128x1x32xf32>
      %squeeze3A_841 = vector.shape_cast %slice3A_840 : vector<128x1x32xf32> to vector<128x32xf32>
      %sub3A_842 = arith.subf %squeeze3A_841, %mul3A_249 : vector<128x32xf32>
      %slice3A_843 = vector.extract_strided_slice %mul3A {offsets = [0, 25, 0], sizes = [128, 1, 32], strides = [1, 1, 1]} : vector<128x32x32xf32> to vector<128x1x32xf32>
      %squeeze3A_844 = vector.shape_cast %slice3A_843 : vector<128x1x32xf32> to vector<128x32xf32>
      %div3A_845 = arith.divf %squeeze3A_844, %select_n3A_839 : vector<128x32xf32>
      %sub3A_846 = arith.subf %sub3A_842, %div3A_845 : vector<128x32xf32>
      %lt3A_847 = arith.constant 0.000000e+00 : f32
      %lt3A_848 = vector.broadcast %lt3A_847 : f32 to vector<128x32xf32>
      %lt3A_849 = arith.cmpf olt, %sub3A_846, %lt3A_848 : vector<128x32xf32>
      %jit3A_850 = arith.constant 1.000000e+00 : f32
      %jit3A_851 = arith.constant 0.000000e+00 : f32
      %broadcast_in_dim3A_852 = vector.broadcast %jit3A_850 : f32 to vector<128x32xf32>
      %broadcast_in_dim3A_853 = vector.broadcast %jit3A_851 : f32 to vector<128x32xf32>
      %select_n3A_854 = arith.select %lt3A_849, %broadcast_in_dim3A_852, %broadcast_in_dim3A_853 : vector<128x32xi1>, vector<128x32xf32>
      %add3A_855 = arith.addf %add3A_832, %select_n3A_854 : vector<128x32xf32>
      %abs3A_856 = math.absf %sub3A_846 : vector<128x32xf32>
      %lt3A_857 = arith.constant 9.99999993E-9 : f32
      %lt3A_858 = vector.broadcast %lt3A_857 : f32 to vector<128x32xf32>
      %lt3A_859 = arith.cmpf olt, %abs3A_856, %lt3A_858 : vector<128x32xf32>
      %jit3A_860 = arith.constant -9.99999993E-9 : f32
      %broadcast_in_dim3A_861 = vector.broadcast %jit3A_860 : f32 to vector<128x32xf32>
      %select_n3A_862 = arith.select %lt3A_859, %broadcast_in_dim3A_861, %sub3A_846 : vector<128x32xi1>, vector<128x32xf32>
      %slice3A_863 = vector.extract_strided_slice %add3A_89 {offsets = [0, 27, 0], sizes = [128, 1, 32], strides = [1, 1, 1]} : vector<128x32x32xf32> to vector<128x1x32xf32>
      %squeeze3A_864 = vector.shape_cast %slice3A_863 : vector<128x1x32xf32> to vector<128x32xf32>
      %sub3A_865 = arith.subf %squeeze3A_864, %mul3A_249 : vector<128x32xf32>
      %slice3A_866 = vector.extract_strided_slice %mul3A {offsets = [0, 26, 0], sizes = [128, 1, 32], strides = [1, 1, 1]} : vector<128x32x32xf32> to vector<128x1x32xf32>
      %squeeze3A_867 = vector.shape_cast %slice3A_866 : vector<128x1x32xf32> to vector<128x32xf32>
      %div3A_868 = arith.divf %squeeze3A_867, %select_n3A_862 : vector<128x32xf32>
      %sub3A_869 = arith.subf %sub3A_865, %div3A_868 : vector<128x32xf32>
      %lt3A_870 = arith.constant 0.000000e+00 : f32
      %lt3A_871 = vector.broadcast %lt3A_870 : f32 to vector<128x32xf32>
      %lt3A_872 = arith.cmpf olt, %sub3A_869, %lt3A_871 : vector<128x32xf32>
      %jit3A_873 = arith.constant 1.000000e+00 : f32
      %jit3A_874 = arith.constant 0.000000e+00 : f32
      %broadcast_in_dim3A_875 = vector.broadcast %jit3A_873 : f32 to vector<128x32xf32>
      %broadcast_in_dim3A_876 = vector.broadcast %jit3A_874 : f32 to vector<128x32xf32>
      %select_n3A_877 = arith.select %lt3A_872, %broadcast_in_dim3A_875, %broadcast_in_dim3A_876 : vector<128x32xi1>, vector<128x32xf32>
      %add3A_878 = arith.addf %add3A_855, %select_n3A_877 : vector<128x32xf32>
      %abs3A_879 = math.absf %sub3A_869 : vector<128x32xf32>
      %lt3A_880 = arith.constant 9.99999993E-9 : f32
      %lt3A_881 = vector.broadcast %lt3A_880 : f32 to vector<128x32xf32>
      %lt3A_882 = arith.cmpf olt, %abs3A_879, %lt3A_881 : vector<128x32xf32>
      %jit3A_883 = arith.constant -9.99999993E-9 : f32
      %broadcast_in_dim3A_884 = vector.broadcast %jit3A_883 : f32 to vector<128x32xf32>
      %select_n3A_885 = arith.select %lt3A_882, %broadcast_in_dim3A_884, %sub3A_869 : vector<128x32xi1>, vector<128x32xf32>
      %slice3A_886 = vector.extract_strided_slice %add3A_89 {offsets = [0, 28, 0], sizes = [128, 1, 32], strides = [1, 1, 1]} : vector<128x32x32xf32> to vector<128x1x32xf32>
      %squeeze3A_887 = vector.shape_cast %slice3A_886 : vector<128x1x32xf32> to vector<128x32xf32>
      %sub3A_888 = arith.subf %squeeze3A_887, %mul3A_249 : vector<128x32xf32>
      %slice3A_889 = vector.extract_strided_slice %mul3A {offsets = [0, 27, 0], sizes = [128, 1, 32], strides = [1, 1, 1]} : vector<128x32x32xf32> to vector<128x1x32xf32>
      %squeeze3A_890 = vector.shape_cast %slice3A_889 : vector<128x1x32xf32> to vector<128x32xf32>
      %div3A_891 = arith.divf %squeeze3A_890, %select_n3A_885 : vector<128x32xf32>
      %sub3A_892 = arith.subf %sub3A_888, %div3A_891 : vector<128x32xf32>
      %lt3A_893 = arith.constant 0.000000e+00 : f32
      %lt3A_894 = vector.broadcast %lt3A_893 : f32 to vector<128x32xf32>
      %lt3A_895 = arith.cmpf olt, %sub3A_892, %lt3A_894 : vector<128x32xf32>
      %jit3A_896 = arith.constant 1.000000e+00 : f32
      %jit3A_897 = arith.constant 0.000000e+00 : f32
      %broadcast_in_dim3A_898 = vector.broadcast %jit3A_896 : f32 to vector<128x32xf32>
      %broadcast_in_dim3A_899 = vector.broadcast %jit3A_897 : f32 to vector<128x32xf32>
      %select_n3A_900 = arith.select %lt3A_895, %broadcast_in_dim3A_898, %broadcast_in_dim3A_899 : vector<128x32xi1>, vector<128x32xf32>
      %add3A_901 = arith.addf %add3A_878, %select_n3A_900 : vector<128x32xf32>
      %abs3A_902 = math.absf %sub3A_892 : vector<128x32xf32>
      %lt3A_903 = arith.constant 9.99999993E-9 : f32
      %lt3A_904 = vector.broadcast %lt3A_903 : f32 to vector<128x32xf32>
      %lt3A_905 = arith.cmpf olt, %abs3A_902, %lt3A_904 : vector<128x32xf32>
      %jit3A_906 = arith.constant -9.99999993E-9 : f32
      %broadcast_in_dim3A_907 = vector.broadcast %jit3A_906 : f32 to vector<128x32xf32>
      %select_n3A_908 = arith.select %lt3A_905, %broadcast_in_dim3A_907, %sub3A_892 : vector<128x32xi1>, vector<128x32xf32>
      %slice3A_909 = vector.extract_strided_slice %add3A_89 {offsets = [0, 29, 0], sizes = [128, 1, 32], strides = [1, 1, 1]} : vector<128x32x32xf32> to vector<128x1x32xf32>
      %squeeze3A_910 = vector.shape_cast %slice3A_909 : vector<128x1x32xf32> to vector<128x32xf32>
      %sub3A_911 = arith.subf %squeeze3A_910, %mul3A_249 : vector<128x32xf32>
      %slice3A_912 = vector.extract_strided_slice %mul3A {offsets = [0, 28, 0], sizes = [128, 1, 32], strides = [1, 1, 1]} : vector<128x32x32xf32> to vector<128x1x32xf32>
      %squeeze3A_913 = vector.shape_cast %slice3A_912 : vector<128x1x32xf32> to vector<128x32xf32>
      %div3A_914 = arith.divf %squeeze3A_913, %select_n3A_908 : vector<128x32xf32>
      %sub3A_915 = arith.subf %sub3A_911, %div3A_914 : vector<128x32xf32>
      %lt3A_916 = arith.constant 0.000000e+00 : f32
      %lt3A_917 = vector.broadcast %lt3A_916 : f32 to vector<128x32xf32>
      %lt3A_918 = arith.cmpf olt, %sub3A_915, %lt3A_917 : vector<128x32xf32>
      %jit3A_919 = arith.constant 1.000000e+00 : f32
      %jit3A_920 = arith.constant 0.000000e+00 : f32
      %broadcast_in_dim3A_921 = vector.broadcast %jit3A_919 : f32 to vector<128x32xf32>
      %broadcast_in_dim3A_922 = vector.broadcast %jit3A_920 : f32 to vector<128x32xf32>
      %select_n3A_923 = arith.select %lt3A_918, %broadcast_in_dim3A_921, %broadcast_in_dim3A_922 : vector<128x32xi1>, vector<128x32xf32>
      %add3A_924 = arith.addf %add3A_901, %select_n3A_923 : vector<128x32xf32>
      %abs3A_925 = math.absf %sub3A_915 : vector<128x32xf32>
      %lt3A_926 = arith.constant 9.99999993E-9 : f32
      %lt3A_927 = vector.broadcast %lt3A_926 : f32 to vector<128x32xf32>
      %lt3A_928 = arith.cmpf olt, %abs3A_925, %lt3A_927 : vector<128x32xf32>
      %jit3A_929 = arith.constant -9.99999993E-9 : f32
      %broadcast_in_dim3A_930 = vector.broadcast %jit3A_929 : f32 to vector<128x32xf32>
      %select_n3A_931 = arith.select %lt3A_928, %broadcast_in_dim3A_930, %sub3A_915 : vector<128x32xi1>, vector<128x32xf32>
      %slice3A_932 = vector.extract_strided_slice %add3A_89 {offsets = [0, 30, 0], sizes = [128, 1, 32], strides = [1, 1, 1]} : vector<128x32x32xf32> to vector<128x1x32xf32>
      %squeeze3A_933 = vector.shape_cast %slice3A_932 : vector<128x1x32xf32> to vector<128x32xf32>
      %sub3A_934 = arith.subf %squeeze3A_933, %mul3A_249 : vector<128x32xf32>
      %slice3A_935 = vector.extract_strided_slice %mul3A {offsets = [0, 29, 0], sizes = [128, 1, 32], strides = [1, 1, 1]} : vector<128x32x32xf32> to vector<128x1x32xf32>
      %squeeze3A_936 = vector.shape_cast %slice3A_935 : vector<128x1x32xf32> to vector<128x32xf32>
      %div3A_937 = arith.divf %squeeze3A_936, %select_n3A_931 : vector<128x32xf32>
      %sub3A_938 = arith.subf %sub3A_934, %div3A_937 : vector<128x32xf32>
      %lt3A_939 = arith.constant 0.000000e+00 : f32
      %lt3A_940 = vector.broadcast %lt3A_939 : f32 to vector<128x32xf32>
      %lt3A_941 = arith.cmpf olt, %sub3A_938, %lt3A_940 : vector<128x32xf32>
      %jit3A_942 = arith.constant 1.000000e+00 : f32
      %jit3A_943 = arith.constant 0.000000e+00 : f32
      %broadcast_in_dim3A_944 = vector.broadcast %jit3A_942 : f32 to vector<128x32xf32>
      %broadcast_in_dim3A_945 = vector.broadcast %jit3A_943 : f32 to vector<128x32xf32>
      %select_n3A_946 = arith.select %lt3A_941, %broadcast_in_dim3A_944, %broadcast_in_dim3A_945 : vector<128x32xi1>, vector<128x32xf32>
      %add3A_947 = arith.addf %add3A_924, %select_n3A_946 : vector<128x32xf32>
      %abs3A_948 = math.absf %sub3A_938 : vector<128x32xf32>
      %lt3A_949 = arith.constant 9.99999993E-9 : f32
      %lt3A_950 = vector.broadcast %lt3A_949 : f32 to vector<128x32xf32>
      %lt3A_951 = arith.cmpf olt, %abs3A_948, %lt3A_950 : vector<128x32xf32>
      %jit3A_952 = arith.constant -9.99999993E-9 : f32
      %broadcast_in_dim3A_953 = vector.broadcast %jit3A_952 : f32 to vector<128x32xf32>
      %select_n3A_954 = arith.select %lt3A_951, %broadcast_in_dim3A_953, %sub3A_938 : vector<128x32xi1>, vector<128x32xf32>
      %slice3A_955 = vector.extract_strided_slice %add3A_89 {offsets = [0, 31, 0], sizes = [128, 1, 32], strides = [1, 1, 1]} : vector<128x32x32xf32> to vector<128x1x32xf32>
      %squeeze3A_956 = vector.shape_cast %slice3A_955 : vector<128x1x32xf32> to vector<128x32xf32>
      %sub3A_957 = arith.subf %squeeze3A_956, %mul3A_249 : vector<128x32xf32>
      %slice3A_958 = vector.extract_strided_slice %mul3A {offsets = [0, 30, 0], sizes = [128, 1, 32], strides = [1, 1, 1]} : vector<128x32x32xf32> to vector<128x1x32xf32>
      %squeeze3A_959 = vector.shape_cast %slice3A_958 : vector<128x1x32xf32> to vector<128x32xf32>
      %div3A_960 = arith.divf %squeeze3A_959, %select_n3A_954 : vector<128x32xf32>
      %sub3A_961 = arith.subf %sub3A_957, %div3A_960 : vector<128x32xf32>
      %lt3A_962 = arith.constant 0.000000e+00 : f32
      %lt3A_963 = vector.broadcast %lt3A_962 : f32 to vector<128x32xf32>
      %lt3A_964 = arith.cmpf olt, %sub3A_961, %lt3A_963 : vector<128x32xf32>
      %jit3A_965 = arith.constant 1.000000e+00 : f32
      %jit3A_966 = arith.constant 0.000000e+00 : f32
      %broadcast_in_dim3A_967 = vector.broadcast %jit3A_965 : f32 to vector<128x32xf32>
      %broadcast_in_dim3A_968 = vector.broadcast %jit3A_966 : f32 to vector<128x32xf32>
      %select_n3A_969 = arith.select %lt3A_964, %broadcast_in_dim3A_967, %broadcast_in_dim3A_968 : vector<128x32xi1>, vector<128x32xf32>
      %add3A_970 = arith.addf %add3A_947, %select_n3A_969 : vector<128x32xf32>
      %gt3A = vector.broadcast %convert_element_type3A : vector<1x32xf32> to vector<128x32xf32>
      %gt3A_971 = arith.cmpf ogt, %add3A_970, %gt3A : vector<128x32xf32>
      %select_n3A_972 = arith.select %gt3A_971, %scan3A_244, %mul3A_249 : vector<128x32xi1>, vector<128x32xf32>
      %select_n3A_973 = arith.select %gt3A_971, %mul3A_249, %scan3A_245 : vector<128x32xi1>, vector<128x32xf32>
      scf.yield %select_n3A_972, %select_n3A_973 : vector<128x32xf32>, vector<128x32xf32>
    }
    %add3A_232 = arith.addf %scan3A_231#0, %scan3A_231#1 : vector<128x32xf32>
    %mul3A_233 = arith.constant 5.000000e-01 : f32
    %mul3A_234 = vector.broadcast %mul3A_233 : f32 to vector<128x32xf32>
    %mul3A_235 = arith.mulf %mul3A_234, %add3A_232 : vector<128x32xf32>
    %get3A_236 = arith.constant 0 : index
    %get3A_237 = arith.constant 0 : index
    %get3A_238 = vector.load %arg2[%get3A_236, %get3A_237] : memref<128x32xf32, #tpu.memory_space<vmem>>, vector<128x32xf32>
    %mul3A_239 = arith.mulf %mul3A_235, %get3A_238 : vector<128x32xf32>
    %reduce_sum3A_240 = arith.constant dense<0.000000e+00> : vector<128xf32>
    %reduce_sum3A_241 = vector.multi_reduction <add>, %mul3A_239, %reduce_sum3A_240 [1] : vector<128x32xf32> to vector<128xf32>
    %swap3A = arith.constant 0 : index
    %swap3A_242 = vector.load %arg3[%swap3A] : memref<128xf32, #tpu.memory_space<vmem>>, vector<128xf32>
    tpu.vector_store %arg3[%swap3A], %reduce_sum3A_241 {strides = array<i32>} : memref<128xf32, #tpu.memory_space<vmem>>, vector<128xf32>,
    return
  }
  func.func @transform_0(%arg0: i32) -> (i32, i32, i32) {
    %c0_i32 = arith.constant 0 : i32
    %c0_i32_0 = arith.constant 0 : i32
    %c0_i32_1 = arith.constant 0 : i32
    return %arg0, %c0_i32, %c0_i32_0 : i32, i32, i32
  }
  func.func @transform_1(%arg0: i32) -> (i32, i32) {
    %c0_i32 = arith.constant 0 : i32
    %c0_i32_0 = arith.constant 0 : i32
    return %arg0, %c0_i32 : i32, i32
  }
  func.func @transform_2(%arg0: i32) -> i32 {
    %c0_i32 = arith.constant 0 : i32
    return %arg0 : i32
  }
}

</mosaic_0001>

<sc_bundles>
// kernel: kernel.4.cloned.1.call-start
scs
__scs_entry_jumppad:
0x0: {  	(pc) =	sbr.rel $0x88, $3  }
0x1: {  	(tag) =	ssettag $0x0;
	lr =	simm.s32 $0x1  }
0x2: {  	[smem:$0x3F9D] =	sst lr;
	_ =	strace $0xD0000000  }
0x3: {  	_ = 	snop  }
0x4: {  	_ = 	snop  }
0x5: {  	_ = 	snop  }
0x6: {  	_ = 	snop  }
0x7: {  	_ = 	snop  }
__scs_overlays_trampoline_lowered:
0x8: {  	[smem:$0x3FAC] =	sst s0  }
0x9: {  	[smem:$0x3FAD] =	sst s1  }
0xa: {  	[smem:$0x3FAE] =	sst s2  }
0xb: {  	[smem:$0x3FAF] =	sst s3  }
0xc: {  	[smem:$0x3FB0] =	sst s4  }
0xd: {  	[smem:$0x3FB1] =	sst s5  }
0xe: {  	[smem:$0x3FB2] =	sst s6  }
0xf: {  	[smem:$0x3FB3] =	sst s7  }
0x10: {  	[smem:$0x3FB4] =	sst s8  }
0x11: {  	[smem:$0x3FB5] =	sst s9;
	s0 =	simm.s32 @!p0 $0x0  }
0x12: {  	s1 =	sld [smem:$0x3F9B];
	s0 =	simm.s32 @p0 $0x1  }
0x13: {  	[smem:$0x3FB6] =	sst s0;
	s0 =	simm.s32 @!p1 $0x0  }
0x14: {  	s2 =	sld [smem:$0x3F9A];
	s0 =	simm.s32 @p1 $0x1  }
0x15: {  	[smem:$0x3FB7] =	sst s0;
	s0 =	simm.s32 @!p2 $0x0  }
0x16: {  	s3 =	sld [smem:$0x3FDB];
	s0 =	simm.s32 @p2 $0x1  }
0x17: {  	s4 =	simm.s32 $0x1BF5;
	[smem:$0x3FB9] =	sst s0  }
0x18: {  	s0 =	sld [smem:$0x3F9C];
	_ =	swait.ge [sflag:s4], $0x0  }
0x19: {  	s7 =	sld [smem:$0x3F9D]  }
0x1a: {  	s8 =	sadd.s32 $0xFFFFE003, lr  }
0x1b: {  	s9 =	sadd.s32 $0xFFFFFEF7, lr;
	s5 =	simm.s32 $0xFFFFFFFF;
	p2 =	slt.u32 s8, $0xFFFFF086  }
0x1c: {  	p1 =	slt.u32 s9, $0xF7A;
	s5 =	simm.s32 @!p2 $0x0  }
0x1d: {  	s5 =	simm.s32 @p1 $0x1;
	p0 =	seq.s32 s7, s2  }
0x1e: {  	s7 =	smul.u32 @!p0 $0xF7A, s2;
	p2 =	seq.s32 @!p0 s5, $0x0  }
0x1f: {  	s9 =	smul.u32 $0xF7A, s1;
	s8 =	simm.s32 @!p0 $0x1BF5;
	p2 =	por !p2, p0  }
0x20: {  	[sflag:s8] =	ssyncset.s32 @!p0 $0xFFFFF086;
	s6 =	sadd.s32 @!p0 s3, s7;
	s7 =	simm.s32 @!p0 $0x108  }
0x21: {  	s3 =	sadd.s32 s3, s9;
	s6 =	sadd.s32 @!p0 $0x88, s6;
	s7 =	simm.s32 @p2 $0x1082  }
0x22: {  	[simem:s7], [sflag:s8] =	dma.local @!p0 [hbm:s6], $0xF7A  }
0x23: {  	s9 =	sor.u32 $0xD0000000, s2;
	s6 =	simm.s32 $0x108;
	_ =	swait.ge @!p0 [sflag:s8], $0x0  }
0x24: {  	s3 =	sadd.s32 $0x88, s3;
	s6 =	simm.s32 @!p1 $0x1082;
	[sflag:s4] =	ssyncset.s32 $0xFFFFF086  }
0x25: {  	[simem:s6], [sflag:s4] =	dma.local [hbm:s3], $0xF7A  }
0x26: {  	[smem:$0x3F9D] =	sst s1;
	(tag) =	ssettag s2;
	_ =	strace s9  }
0x27: {  	s1 =	sld [smem:$0x3FAD]  }
0x28: {  	s2 =	sld [smem:$0x3FAE]  }
0x29: {  	s4 =	sld [smem:$0x3FB0]  }
0x2a: {  	p0 =	seq.s32 s5, $0x0;
	s5 =	sld [smem:$0x3FB1]  }
0x2b: {  	s6 =	sld [smem:$0x3FB2]  }
0x2c: {  	s7 =	sld [smem:$0x3FB3]  }
0x2d: {  	s3 =	simm.s32 $0x108;
	s8 =	sld [smem:$0x3FB4]  }
0x2e: {  	s3 =	simm.s32 @!p0 $0x1082;
	s9 =	sld [smem:$0x3FB5]  }
0x2f: {  	lr =	sadd.s32 s0, s3;
	s0 =	sld [smem:$0x3FAC]  }
0x30: {  	s3 =	sld [smem:$0x3FAF]  }
0x31: {  	[smem:$0x3FB8] =	sst s10  }
0x32: {  	s10 =	sld [smem:$0x3FB6];
	_ =	sdelay $0x3  }
0x33: {  	p0 =	seq.s32 s10, $0x1;
	s10 =	sld [smem:$0x3FB8];
	_ =	sdelay $0x3  }
0x34: {  	[smem:$0x3FB8] =	sst s10  }
0x35: {  	s10 =	sld [smem:$0x3FB7];
	_ =	sdelay $0x3  }
0x36: {  	p1 =	seq.s32 s10, $0x1;
	s10 =	sld [smem:$0x3FB8];
	_ =	sdelay $0x3  }
0x37: {  	[smem:$0x3FB8] =	sst s10  }
0x38: {  	s10 =	sld [smem:$0x3FB9]  }
0x39: {  	_ = 	snop;
	(pc) =	sbr.ind lr, $3  }
0x3a: {  	_ = 	snop  }
0x3b: {  	_ = 	snop  }
0x3c: {  	p2 =	seq.s32 s10, $0x1;
	s10 =	sld [smem:$0x3FB8]  }
0x3d: {  	_ =	shalt  }
0x3e: {  	_ =	shalt  }
0x3f: {  	_ =	shalt  }
0x40: {  	_ =	shalt  }
0x41: {  	_ =	shalt  }
0x42: {  	_ =	shalt  }
0x43: {  	_ =	shalt  }
0x44: {  	_ =	shalt  }
0x45: {  	_ =	shalt  }
0x46: {  	_ =	shalt  }
0x47: {  	_ =	shalt  }
0x48: {  	_ =	shalt  }
0x49: {  	_ =	shalt  }
0x4a: {  	_ =	shalt  }
0x4b: {  	_ =	shalt  }
0x4c: {  	_ =	shalt  }
0x4d: {  	_ =	shalt  }
0x4e: {  	_ =	shalt  }
0x4f: {  	_ =	shalt  }
0x50: {  	_ =	shalt  }
0x51: {  	_ =	shalt  }
0x52: {  	_ =	shalt  }
0x53: {  	_ =	shalt  }
0x54: {  	_ =	shalt  }
0x55: {  	_ =	shalt  }
0x56: {  	_ =	shalt  }
0x57: {  	_ =	shalt  }
0x58: {  	_ =	shalt  }
0x59: {  	_ =	shalt  }
0x5a: {  	_ =	shalt  }
0x5b: {  	_ =	shalt  }
0x5c: {  	_ =	shalt  }
0x5d: {  	_ =	shalt  }
0x5e: {  	_ =	shalt  }
0x5f: {  	_ =	shalt  }
0x60: {  	_ =	shalt  }
0x61: {  	_ =	shalt  }
0x62: {  	_ =	shalt  }
0x63: {  	_ =	shalt  }
0x64: {  	_ =	shalt  }
0x65: {  	_ =	shalt  }
0x66: {  	_ =	shalt  }
0x67: {  	_ =	shalt  }
0x68: {  	_ =	shalt  }
0x69: {  	_ =	shalt  }
0x6a: {  	_ =	shalt  }
0x6b: {  	_ =	shalt  }
0x6c: {  	_ =	shalt  }
0x6d: {  	_ =	shalt  }
0x6e: {  	_ =	shalt  }
0x6f: {  	_ =	shalt  }
0x70: {  	_ =	shalt  }
0x71: {  	_ =	shalt  }
0x72: {  	_ =	shalt  }
0x73: {  	_ =	shalt  }
0x74: {  	_ =	shalt  }
0x75: {  	_ =	shalt  }
0x76: {  	_ =	shalt  }
0x77: {  	_ =	shalt  }
0x78: {  	_ =	shalt  }
0x79: {  	_ =	shalt  }
0x7a: {  	_ =	shalt  }
0x7b: {  	_ =	shalt  }
0x7c: {  	_ =	shalt  }
0x7d: {  	_ =	shalt  }
0x7e: {  	_ =	shalt  }
0x7f: {  	_ =	shalt  }
0x80: {  	_ =	shalt  }
0x81: {  	_ =	shalt  }
0x82: {  	_ =	shalt  }
0x83: {  	_ =	shalt  }
0x84: {  	_ =	shalt  }
0x85: {  	_ =	shalt  }
0x86: {  	_ =	shalt  }
0x87: {  	_ =	shalt  }
.Lfunc_end0:
.L_simem_size_0:
called_computation_lowered:
.L_overlay_start_0:
0x88: {  	s2 =	sld [smem:$0x3FD9]  }
0x89: {  	s3 =	sld [smem:$0x3FFE];
	_ =	sdelay $0x1  }
0x8a: {  	s1 =	srdreg.scid  }
0x8b: {  	s0 =	sand.u32 $0x1, s1  }
0x8c: {  	s17 =	sshll.u32 s0, $0xA;
	s2 =	sadd.s32 s3, s2  }
0x8d: {  	s2 =	sadd.s32 s2, s17  }
0x8e: {  	[smem:$0x3FC4] =	sst s2  }
0x8f: {  	_ = 	snop  }
0x90: {  	s2 =	sld [smem:$0x3FD0];
	(tm) =	ssettm $0x1  }
0x91: {  	s18 =	sld [smem:$0x3FFB];
	_ =	sdelay $0x3  }
0x92: {  	_ =	strace s18  }
0x93: {  	s3 =	sld [smem:$0x3FFC];
	_ =	sdelay $0x3  }
0x94: {  	_ =	strace s3  }
0x95: {  	s3 =	sld [smem:$0x3FFD];
	_ =	sdelay $0x3  }
0x96: {  	_ =	strace s3  }
0x97: {  	_ =	strace $0x8FFFFFFF  }
0x98: {  	s19 =	sld [smem:$0x3FDB];
	_ =	sdelay $0x1  }
0x99: {  	s4 =	simm.s32 $_scs_section_size  }
0x9a: {  	s5 =	simm.s32 $_size__tile_overlayer_lowered;
	s6 =	simm.s32 $_tile_overlayer_lowered  }
0x9b: {  	s22 =	simm.s32 $0x1BFF;
	s21 =	sshll.u32 s6, $0x1;
	s3 =	sadd.s32 s4, s19  }
0x9c: {  	s7 =	simm.s32 $0x0;
	s20 =	sshll.u32 s5, $0x1;
	s5 =	sadd.s32 s21, s3  }
0x9d: {  	[timem:s7], [sflag:s22] =	dma.local [hbm:s5], s20  }
0x9e: {  	_ =	swait.ge [sflag:s22], s20  }
0x9f: {  	s4 =	ssub.s32 $0x0, s20;
	[sflag:s22] =	ssyncset.done $0x0  }
0xa0: {  	[sflag:s22] =	ssyncadd.s32 s4;
	_ =	sdelay $0x1  }
0xa1: {  	s23 =	simm.s32 $0x1B8B  }
0xa2: {  	_ =	swait.ge [sflag:s23], $0x1  }
0xa3: {  	[sflag:s23] =	ssyncset.done $0x0  }
0xa4: {  	s25 =	simm.s32 $0x1B8E;
	s24 =	sld [smem:$0x3FFE];
	[sflag:s23] =	ssyncadd.s32 $0xFFFFFFFF  }
0xa5: {  	s26 =	simm.s32 $execute0_lowered;
	[smem:$0x3FD2] =	sst s25  }
0xa6: {  	s5 =	sshll.u32 s26, $0x1;
	_ =	strace $0x80000046;
	[dreg:$0x1] =	wrdreg $0xFFFFFFFF  }
0xa7: {  	s28 =	simm.s32 $_size_execute0_lowered;
	s3 =	sadd.s32 s3, s5;
	[dreg:$0x0] =	wrdreg $0x0  }
0xa8: {  	s5 =	sshll.u32 s28, $0x1;
	[dreg:$0x2] =	wrdreg s3  }
0xa9: {  	[dreg:$0x3] =	wrdreg s5  }
0xaa: {  	[dreg:$0x4] =	wrdreg $0xC0  }
0xab: {  	_ =	task [dreg:s7], $0x5FFFF  }
0xac: {  	[dreg:$0x1] =	wrdreg $0xFFFFFFFF  }
0xad: {  	[dreg:$0x0] =	wrdreg $0x60  }
0xae: {  	[dreg:$0x2] =	wrdreg s2  }
0xaf: {  	[dreg:$0x3] =	wrdreg s24  }
0xb0: {  	[dreg:$0x4] =	wrdreg $0x9  }
0xb1: {  	_ =	task.clear_ibuf [dreg:s7], $0x5FFFF;
	_ =	strace $0x90000046  }
0xb2: {  	s29 =	simm.s32 $0x9;
	_ =	strace $0x80000048  }
0xb3: {  	_ =	swait.ge [sflag:s29], $0x1  }
0xb4: {  	[sflag:s29] =	ssyncadd.s32 $0xFFFFFFFF  }
0xb5: {  	_ =	strace $0x90000048  }
0xb6: {  	_ =	sfence  }
0xb7: {  	s30 =	sld [smem:$0x0];
	_ =	sdelay $0x2  }
0xb8: {  	s31 =	sshll.u32 s1, $0xD;
	s1 =	sshrl.u32 s1, $0x2  }
0xb9: {  	s3 =	sand.u32 $0x4000, s31;
	s1 =	sadd.s32 s1, s30  }
0xba: {  	s0 =	sor.u32 s3, s0;
	s1 =	sshll.u32 s1, $0x11  }
0xbb: {  	s0 =	sor.u32 s1, s0  }
0xbc: {  	s0 =	sadd.s32 $0x8F2B, s0  }
0xbd: {  	[sflag:s0] =	ssyncadd.remote.s32 $0x1  }
0xbe: {  	_ =	sfence.sel $0xFFFF  }
0xbf: {  	[dreg:$0x0] =	wrdreg $0xFFFFFFFF;
	(pc) =	sbr.abs _section_cstart, $3  }
0xc0: {  	[dreg:$0x1] =	wrdreg $0xFFFFFFFF  }
0xc1: {  	_ =	task.clear_ibuf [dreg:s7], $0x2FFFF;
	_ =	strace $0x9FFFFFFF  }
0xc2: {  	(tm) =	ssettm $0x7FFFFFFF  }
0xc3: {  	_ =	shalt  }
tec
execute0_lowered:
.L_overlay_start_1:
0x0: {  	(tag) =	ssettag $0x1  }
0x1: {  	s1 =	rddreg [dreg:$0x0]  }
0x2: {  	s7 =	rddreg [dreg:$0x1]  }
0x3: {  	s0 =	rddreg [dreg:$0x2];
	s2 =	simm.s32 $0x0;
	s3 =	srdreg.scid  }
0x4: {  	s11 =	simm.s32 $0x480;
	s12 =	simm.s32 $0x1480;
	s13 =	simm.s32 $0x2480  }
0x5: {  	s14 =	simm.s32 $0x3480;
	s15 =	simm.s32 $0x0;
	[smem:$0x7FF] =	sst s2  }
0x6: {  	s8 =	sand.u32 $0x1, s3;
	s4 =	sadd.s32 $0xC00, s7;
	s5 =	sadd.s32 $0x80C00, s7  }
0x7: {  	s6 =	sadd.s32 $0x40C00, s7;
	s3 =	stileid.u32;
	s9 =	ssub.s32 $0x2, s8  }
0x8: {  	s7 =	sadd.s32 $0xC0C00, s7;
	_ =	strace $0x80000047;
	s10 =	sshrl.u32 s9, $0x1  }
0x9: {  	s31 =	sshll.u32 s3, $0x9;
	s8 =	sshll.u32 s8, $0x8;
	s9 =	ssub.s32 s9, s10  }
0xa: {  	v0 =	vimm.f32 $0.0e+00;
	s8 =	sor.u32 s8, s31;
	s10 =	simm.s32 $0x1;
	s9 =	smax.u32 s9, $0x1  }
.LBB2_1:
0xb: {  	[tilespmem:s2], [sflag:$0x1] =	stream.linear.gather [hbm4b:s1+s2], $0x480, $0x38;
	[tilespmem:$0x7480] =	vst v63  }
0xc: {  	_ =	swait.ge [sflag:s10], $0x480  }
0xd: {  	[sflag:s10] =	ssyncset.done $0x0  }
0xe: {  	s16 =	simm.s32 $0x0;
	[sflag:s10] =	ssyncadd.s32 $0xFFFFFB80  }
.LBB2_2:
0xf: {  	s17 =	sshll.u32 s16, $0x4  }
0x10: {  	s17 =	sadd.s32 s8, s17  }
0x11: {  	s19 =	sshll.u32 s17, $0x5  }
0x12: {  	s18 =	simm.s32 $0x0;
	s20 =	sadd.s32 s4, s19  }
0x13: {  	[tilespmem:s11], [sflag:$0x1] =	stream.linear.gather [hbm4b:s20+s18], $0x1000, $0x38;
	[tilespmem:$0x7480] =	vst v63  }
0x14: {  	_ =	swait.ge [sflag:s10], $0x1000  }
0x15: {  	[sflag:s10] =	ssyncset.done $0x0  }
0x16: {  	s31 =	sadd.s32 s5, s19;
	[sflag:s10] =	ssyncadd.s32 $0xFFFFF000  }
0x17: {  	[tilespmem:s12], [sflag:$0x1] =	stream.linear.gather [hbm4b:s31+s18], $0x1000, $0x38;
	[tilespmem:$0x7480] =	vst v63  }
0x18: {  	_ =	swait.ge [sflag:s10], $0x1000  }
0x19: {  	[sflag:s10] =	ssyncset.done $0x0  }
0x1a: {  	s19 =	sadd.s32 s6, s19;
	[sflag:s10] =	ssyncadd.s32 $0xFFFFF000  }
0x1b: {  	[tilespmem:s13], [sflag:$0x1] =	stream.linear.gather [hbm4b:s19+s18], $0x1000, $0x38;
	[tilespmem:$0x7480] =	vst v63  }
0x1c: {  	_ =	swait.ge [sflag:s10], $0x1000  }
0x1d: {  	[sflag:s10] =	ssyncset.done $0x0  }
0x1e: {  	s20 =	simm.s32 $0x0;
	s19 =	simm.s32 $0x40;
	[sflag:s10] =	ssyncadd.s32 $0xFFFFF000  }
.LBB2_3:
0x1f: {  	p0 =	sne.s32 s19, $0xFFC0;
	[tilespmem:s20+$0x3480] =	vst v0;
	s20 =	smov.u32 s19;
	s19 =	sadd.s32 $0x40, s19  }
.Ltmp0:
0x20: {  	(pc) =	sbr.rel @p0 .LBB2_3-.Ltmp0, $2  }
0x21: {  	_ =	sdelay $0x2  }
0x22: {  	s20 =	sshra.s32 s20, $0x2  }
0x23: {  	[tilespmem:s20+$0x3480] =	vst v0;
	s20 =	simm.s32 $0x0  }
0x24: {  	s19 =	simm.s32 $0x40;
	v1 =	vld [tilespmem:s20+$0x480]  }
.LBB2_5:
0x25: {  	p0 =	sne.s32 s19, $0x3FC0;
	_ =	sdelay $0x4  }
0x26: {  	v2 =	vld [tilespmem:s20+$0x1480]  }
0x27: {  	v3 =	vld [tilespmem:s20+$0x2480]  }
0x28: {  	v1 =	vld.idx.msk [tilespmem:v1+s2+$0x0], $0xffff;
	_ =	sdelay $0x1  }
0x29: {  	s20 =	sand.u32 $0x3C00, s18;
	s18 =	smov.u32 s19  }
0x2a: {  	v2 =	vadd.s32 s20, v2  }
0x2b: {  	v3 =	vadd.s32 s20, v3;
	_ =	sdelay $0x1  }
.Ltmp1:
0x2c: {  	v1 =	vmul.f32 $5.000000000e-01, v1;
	(pc) =	sbr.rel @p0 .LBB2_5-.Ltmp1, $4  }
0x2d: {  	_ = 	snop  }
0x2e: {  	[tilespmem:v2+s14+$0x0] =	vst.idx.add.f32.msk $0xffff, v1  }
0x2f: {  	s20 =	sshra.s32 s19, $0x2;
	[tilespmem:v3+s14+$0x0] =	vst.idx.add.f32.msk $0xffff, v1  }
0x30: {  	s19 =	sadd.s32 $0x40, s19;
	v1 =	vld [tilespmem:s20+$0x480]  }
0x31: {  	_ =	sdelay $0x4  }
0x32: {  	v2 =	vld [tilespmem:s20+$0x1480]  }
0x33: {  	v3 =	vld [tilespmem:s20+$0x2480];
	_ =	sdelay $0x1  }
0x34: {  	v1 =	vld.idx.msk [tilespmem:v1+s2+$0x0], $0xffff  }
0x35: {  	s18 =	sand.u32 $0x3C00, s18  }
0x36: {  	v2 =	vadd.s32 s18, v2  }
0x37: {  	v3 =	vadd.s32 s18, v3;
	_ =	sdelay $0x1  }
0x38: {  	v1 =	vmul.f32 $5.000000000e-01, v1  }
0x39: {  	s16 =	sadd.s32 $0x1, s16  }
0x3a: {  	s17 =	sshll.u32 s17, $0x7;
	p0 =	sne.s32 s16, $0x10;
	[tilespmem:v2+s14+$0x0] =	vst.idx.add.f32.msk $0xffff, v1  }
.Ltmp2:
0x3b: {  	s17 =	sadd.s32 s7, s17;
	[tilespmem:v3+s14+$0x0] =	vst.idx.add.f32.msk $0xffff, v1;
	(pc) =	sbr.rel @p0 .LBB2_2-.Ltmp2, $4  }
0x3c: {  	[hbm4b:s17+s2] =	stream.linear.scatter [tilespmem:s14], [sflag:$0x1], $0x4000, $0x38;
	[tilespmem:$0x7480] =	vst v63  }
0x3d: {  	_ =	swait.ge [sflag:s10], $0x4000  }
0x3e: {  	[sflag:s10] =	ssyncset.done $0x0  }
0x3f: {  	[sflag:s10] =	ssyncadd.s32 $0xFFFFC000  }
0x40: {  	s15 =	sadd.s32 $0x1, s15  }
0x41: {  	p0 =	sne.s32 s15, s9  }
.Ltmp3:
0x42: {  	_ = 	snop;
	(pc) =	sbr.rel @p0 .LBB2_1-.Ltmp3, $1  }
0x43: {  	_ =	sdelay $0x3  }
0x44: {  	_ =	sfence.sel $0x180000  }
0x45: {  	[bflag:$0x0] =	sbarrier.arrive $0xFFFF  }
0x46: {  	p0 =	sne.s32 s3, $0x0;
	_ =	strace $0x90000047  }
0x47: {  	s0 =	sadd.s32 @!p0 $0x100000, s0;
	[bflag:$0x2] =	sbarrier.arrive $0xFFFF  }
0x48: {  	[sflag:s0] =	ssyncadd.tile.s32 @!p0 $0x1;
	_ =	shalt  }
.Lfunc_end2:
_tile_overlayer_lowered:
.L_overlay_start_2:
0x49: {  	(tag) =	ssettag $0x2  }
0x4a: {  	s0 =	rddreg [dreg:$0x0];
	s2 =	stileid.u32  }
0x4b: {  	s1 =	rddreg [dreg:$0x1];
	p0 =	sne.s32 s2, $0x0  }
0x4c: {  	s3 =	rddreg [dreg:$0x2];
	[bflag:$0x3] =	sbarrier.arrive $0xFFFF;
	s2 =	simm.s32 @!p0 $0x1C01  }
0x4d: {  	[timem:s3], [sflag:s2] =	dma.local @!p0 [hbm:s0], s1  }
0x4e: {  	s0 =	simm.s32 @!p0 $0x1  }
0x4f: {  	_ =	swait.ge @!p0 [sflag:s0], s1  }
0x50: {  	s1 =	ssub.s32 @!p0 $0x0, s1;
	[sflag:s0] =	ssyncset.done @!p0 $0x0  }
0x51: {  	[sflag:s0] =	ssyncadd.s32 @!p0 s1  }
0x52: {  	[bflag:$0x3] =	sbarrier.arrive $0xFFFF  }
0x53: {  	_ =	shalt  }

</sc_bundles>
